<compile_context>
chip_gen: v7x
topology: tpu7x:2x2x1
jax: 0.10.2.dev20260603
libtpu: 0.0.44.dev20260713+nightly
codegen_flags: <defaults>
</compile_context>

<pallas_src>
import functools

import jax
import jax.numpy as jnp
from jax import lax
from jax.experimental import pallas as pl
from jax.experimental.pallas import tpu as pltpu
from jax.experimental.pallas import tpu_sc as plsc

N = 10000
E = 320000
D = 128
DFF = 256
EPS = 1e-5

NC = 2
NS = 16
NW = NC * NS
CH = 64
NCH = 156
EPW = NCH * CH
NGRP = NCH // 3
NEXTRA = E // CH - NW * NCH
RPT = 632
NROW = NS * RPT
DEG_CH = 640
NPAD = NS * DEG_CH

_mesh = plsc.VectorSubcoreMesh(core_axis_name="c", subcore_axis_name="s")


@functools.partial(
    pl.kernel,
    out_type=jax.ShapeDtypeStruct((NC * NPAD,), jnp.float32),
    mesh=_mesh,
    scratch_types=[
        pltpu.VMEM((EPW,), jnp.int32),
        pltpu.VMEM((CH,), jnp.float32),
        pltpu.SemaphoreType.DMA,
        pltpu.VMEM_SHARED((NPAD,), jnp.float32),
    ],
)
def _deg_kernel(ef_hbm, zeros_hbm, out_hbm, didx, ones_v, ssem, acc):
    c = lax.axis_index("c")
    s = lax.axis_index("s")
    wid = s * NC + c
    ebase = wid * EPW

    def fill(i, carry):
        ones_v[pl.ds(i * 16, 16)] = jnp.ones((16,), jnp.float32)
        return carry

    lax.fori_loop(0, CH // 16, fill, 0)

    pltpu.sync_copy(ef_hbm.at[1, pl.ds(ebase, EPW)], didx)
    pltpu.sync_copy(zeros_hbm, acc.at[pl.ds(s * DEG_CH, DEG_CH)])
    plsc.subcore_barrier()

    def group(g, carry):
        descs = []
        for k in range(3):
            descs.append(pltpu.async_copy(
                ones_v, acc.at[didx.at[pl.ds((3 * g + k) * CH, CH)]],
                ssem, add=True))
        for d in descs:
            d.wait()
        return carry

    lax.fori_loop(0, NGRP, group, 0)

    @pl.when(wid < NEXTRA)
    def _():
        eb = (NW * NCH + wid) * CH
        pltpu.sync_copy(ef_hbm.at[1, pl.ds(eb, CH)], didx.at[pl.ds(0, CH)])
        pltpu.sync_copy(ones_v, acc.at[didx.at[pl.ds(0, CH)]], add=True)

    plsc.subcore_barrier()
    pltpu.sync_copy(acc.at[pl.ds(s * DEG_CH, DEG_CH)],
                    out_hbm.at[pl.ds(c * NPAD + s * DEG_CH, DEG_CH)])


@functools.partial(
    pl.kernel,
    out_type=jax.ShapeDtypeStruct((NC, NROW, D), jnp.float32),
    mesh=_mesh,
    scratch_types=[
        pltpu.VMEM((EPW,), jnp.int32),
        pltpu.VMEM((EPW,), jnp.int32),
        pltpu.VMEM((3, CH, D), jnp.float32),
        pltpu.SemaphoreType.DMA,
        pltpu.SemaphoreType.DMA,
        pltpu.SemaphoreType.DMA,
        pltpu.SemaphoreType.DMA,
        pltpu.SemaphoreType.DMA,
        pltpu.SemaphoreType.DMA,
        pltpu.VMEM_SHARED((NROW, D), jnp.float32),
    ],
)
def _agg_kernel(y_hbm, ef_hbm, zeros_hbm, out_hbm,
                sidx, didx, rows, gs0, gs1, gs2, ss0, ss1, ss2, acc):
    c = lax.axis_index("c")
    s = lax.axis_index("s")
    wid = s * NC + c
    ebase = wid * EPW
    gsems = [gs0, gs1, gs2]
    ssems = [ss0, ss1, ss2]

    pltpu.sync_copy(ef_hbm.at[0, pl.ds(ebase, EPW)], sidx)
    pltpu.sync_copy(ef_hbm.at[1, pl.ds(ebase, EPW)], didx)
    pltpu.async_copy(y_hbm.at[sidx.at[pl.ds(0, CH)]], rows.at[0], gs0)
    pltpu.async_copy(y_hbm.at[sidx.at[pl.ds(CH, CH)]], rows.at[1], gs1)
    pltpu.sync_copy(zeros_hbm, acc.at[pl.ds(s * RPT, RPT)])
    plsc.subcore_barrier()

    def group(g, carry):
        for k in range(3):
            ck = (3 * g + k) * CH
            pltpu.make_async_copy(y_hbm.at[sidx.at[pl.ds(0, CH)]],
                                  rows.at[k], gsems[k]).wait()
            pltpu.async_copy(rows.at[k], acc.at[didx.at[pl.ds(ck, CH)]],
                             ssems[k], add=True)
            fb = (k + 2) % 3
            nk = (3 * g + k + 2) * CH
            if k == 0:
                @pl.when(g > 0)
                def _():
                    pltpu.make_async_copy(rows.at[fb], acc.at[didx.at[pl.ds(0, CH)]],
                                          ssems[fb]).wait()
                pltpu.async_copy(y_hbm.at[sidx.at[pl.ds(nk, CH)]],
                                 rows.at[fb], gsems[fb])
            else:
                pltpu.make_async_copy(rows.at[fb], acc.at[didx.at[pl.ds(0, CH)]],
                                      ssems[fb]).wait()

                @pl.when(g < NGRP - 1)
                def _():
                    pltpu.async_copy(y_hbm.at[sidx.at[pl.ds(nk, CH)]],
                                     rows.at[fb], gsems[fb])

        return carry

    lax.fori_loop(0, NGRP, group, 0)
    pltpu.make_async_copy(rows.at[2], acc.at[didx.at[pl.ds(0, CH)]], ss2).wait()

    @pl.when(wid < NEXTRA)
    def _():
        eb = (NW * NCH + wid) * CH
        pltpu.sync_copy(ef_hbm.at[0, pl.ds(eb, CH)], sidx.at[pl.ds(0, CH)])
        pltpu.sync_copy(ef_hbm.at[1, pl.ds(eb, CH)], didx.at[pl.ds(0, CH)])
        pltpu.async_copy(y_hbm.at[sidx.at[pl.ds(0, CH)]], rows.at[0], gs0).wait()
        pltpu.sync_copy(rows.at[0], acc.at[didx.at[pl.ds(0, CH)]], add=True)

    plsc.subcore_barrier()
    pltpu.sync_copy(acc.at[pl.ds(s * RPT, RPT)],
                    out_hbm.at[c, pl.ds(s * RPT, RPT)])


def _scale_body(deg_ref, x_ref, y_ref, dinv_ref):
    dinv = lax.rsqrt(deg_ref[...])
    dinv_ref[...] = dinv
    y_ref[...] = x_ref[...] * dinv


_scale_call = pl.pallas_call(
    _scale_body,
    out_shape=(
        jax.ShapeDtypeStruct((N, D), jnp.float32),
        jax.ShapeDtypeStruct((N, 1), jnp.float32),
    ),
)


def _bn(h, g, b):
    mu = jnp.mean(h, axis=0, keepdims=True)
    var = jnp.mean((h - mu) ** 2, axis=0, keepdims=True)
    return (h - mu) * lax.rsqrt(var + EPS) * g + b


def _dense_body(part_ref, y_ref, dinv_ref, x_ref, W_ref, b_ref,
                bn_g_ref, bn_b_ref, bn1_g_ref, bn1_b_ref, W1_ref, b1_ref,
                W2_ref, b2_ref, bn2_g_ref, bn2_b_ref, out_ref):
    p0 = lax.slice(part_ref[0], (0, 0), (N, D))
    p1 = lax.slice(part_ref[1], (0, 0), (N, D))
    agg = (p0 + p1 + y_ref[...]) * dinv_ref[...]
    conv = jnp.dot(agg, W_ref[...], preferred_element_type=jnp.float32)
    conv = conv + b_ref[...]
    h = _bn(conv, bn_g_ref[...], bn_b_ref[...])
    h = jnp.maximum(h, 0.0) + x_ref[...]
    z = _bn(h, bn1_g_ref[...], bn1_b_ref[...])
    z = jnp.dot(z, W1_ref[...], preferred_element_type=jnp.float32) + b1_ref[...]
    z = jnp.maximum(z, 0.0)
    z = jnp.dot(z, W2_ref[...], preferred_element_type=jnp.float32) + b2_ref[...]
    h = h + z
    out_ref[...] = _bn(h, bn2_g_ref[...], bn2_b_ref[...])


_dense_call = pl.pallas_call(
    _dense_body,
    out_shape=jax.ShapeDtypeStruct((N, D), jnp.float32),
)


def kernel(x, edge_index, W, b, bn_g, bn_b, bn1_g, bn1_b,
           W1, b1, W2, b2, bn2_g, bn2_b):
    ef = edge_index
    zeros_vec = jnp.zeros((DEG_CH,), jnp.float32)
    zeros_mat = jnp.zeros((RPT, D), jnp.float32)

    degp = _deg_kernel(ef, zeros_vec)
    deg_col = (degp[:N] + degp[NPAD:NPAD + N] + 1.0).reshape(N, 1)
    y, dinv = _scale_call(deg_col, x)
    part = _agg_kernel(y, ef, zeros_mat)
    out = _dense_call(
        part, y, dinv, x, W, b.reshape(1, D),
        bn_g.reshape(1, D), bn_b.reshape(1, D),
        bn1_g.reshape(1, D), bn1_b.reshape(1, D),
        W1, b1.reshape(1, DFF), W2, b2.reshape(1, D),
        bn2_g.reshape(1, D), bn2_b.reshape(1, D),
    )
    return out

# --- scband reference (transcript-rebuilt; emitter-appended) ---
"""Pipeline reference for scband-block-gcnlayer-4638564679687 (READ-ONLY COPY).

The authoritative reference and input builder live on the scoring server;
editing this copy changes nothing except your own understanding.
"""

import jax, jax.numpy as jnp
import numpy as np

N = 10000
E = 320000
D = 128
DFF = 256
EPS = 1e-5


def setup_inputs(seed: int = 0) -> dict:
    key = jax.random.key(seed)
    ks = jax.random.split(key, 14)
    x = jax.random.normal(ks[0], (N, D), dtype=jnp.float32)
    edge_index = jax.random.randint(ks[1], (2, E), 0, N, dtype=jnp.int32)
    W = jax.random.normal(ks[2], (D, D), dtype=jnp.float32) * (1.0 / np.sqrt(D))
    b = jnp.zeros((D,), dtype=jnp.float32)
    bn_g = jnp.ones((D,), dtype=jnp.float32)
    bn_b = jnp.zeros((D,), dtype=jnp.float32)
    bn1_g = jnp.ones((D,), dtype=jnp.float32)
    bn1_b = jnp.zeros((D,), dtype=jnp.float32)
    W1 = jax.random.normal(ks[3], (D, DFF), dtype=jnp.float32) * (1.0 / np.sqrt(D))
    b1 = jnp.zeros((DFF,), dtype=jnp.float32)
    W2 = jax.random.normal(ks[4], (DFF, D), dtype=jnp.float32) * (1.0 / np.sqrt(DFF))
    b2 = jnp.zeros((D,), dtype=jnp.float32)
    bn2_g = jnp.ones((D,), dtype=jnp.float32)
    bn2_b = jnp.zeros((D,), dtype=jnp.float32)
    return {"x": x, "edge_index": edge_index, "W": W, "b": b,
            "bn_g": bn_g, "bn_b": bn_b, "bn1_g": bn1_g, "bn1_b": bn1_b,
            "W1": W1, "b1": b1, "W2": W2, "b2": b2,
            "bn2_g": bn2_g, "bn2_b": bn2_b}


def _batch_norm(h, g, beta):
    mu = jnp.mean(h, axis=0, keepdims=True)
    var = jnp.var(h, axis=0, keepdims=True)
    return (h - mu) / jnp.sqrt(var + EPS) * g + beta


def _gcn_conv(x, edge_index, W, b):
    loop = jnp.arange(N, dtype=edge_index.dtype)
    src = jnp.concatenate([edge_index[0], loop])
    dst = jnp.concatenate([edge_index[1], loop])
    deg = jnp.zeros((N,), dtype=jnp.float32).at[dst].add(1.0)
    dinv = 1.0 / jnp.sqrt(deg)  # deg >= 1 due to self loops
    norm = dinv[src] * dinv[dst]
    h = x @ W
    msg = h[src] * norm[:, None]
    out = jnp.zeros((N, D), dtype=jnp.float32).at[dst].add(msg)
    return out + b


def reference(x, edge_index, W, b, bn_g, bn_b, bn1_g, bn1_b, W1, b1, W2, b2, bn2_g, bn2_b):
    pre_layer = x
    h = _gcn_conv(x, edge_index, W, b)
    h = _batch_norm(h, bn_g, bn_b)
    h = jax.nn.relu(h)
    # dropout p=0.0 -> no-op
    h = h + pre_layer
    # FFN block
    pre_ffn = h
    z = _batch_norm(h, bn1_g, bn1_b)
    z = jax.nn.relu(z @ W1 + b1)
    z = z @ W2 + b2
    h = pre_ffn + z
    h = _batch_norm(h, bn2_g, bn2_b)
    return h

if __name__ == "__main__":
    import jax
    _d = setup_inputs()
    print(jax.jit(kernel)(*tuple(_d.values())))

</pallas_src>

<mosaic_0001>
#map = affine_map<(d0, d1) -> (0, 0)>
#map1 = affine_map<(d0, d1) -> (0, 0, 0)>
module attributes {stable_mosaic.version = 14 : i64} {
  func.func @_agg_kernel(%arg0: i32, %arg1: i32, %arg2: memref<10000x128xf32, #tpu.memory_space<hbm>>, %arg3: memref<2x320000xi32, #tpu.memory_space<hbm>>, %arg4: memref<632x128xf32, #tpu.memory_space<hbm>>, %arg5: memref<2x10112x128xf32, #tpu.memory_space<hbm>>, %arg6: memref<9984xi32, #tpu.memory_space<vmem>>, %arg7: memref<9984xi32, #tpu.memory_space<vmem>>, %arg8: memref<3x64x128xf32, #tpu.memory_space<vmem>>, %arg9: memref<!tpu.dma_semaphore, #tpu.memory_space<semaphore_mem>>, %arg10: memref<!tpu.dma_semaphore, #tpu.memory_space<semaphore_mem>>, %arg11: memref<!tpu.dma_semaphore, #tpu.memory_space<semaphore_mem>>, %arg12: memref<!tpu.dma_semaphore, #tpu.memory_space<semaphore_mem>>, %arg13: memref<!tpu.dma_semaphore, #tpu.memory_space<semaphore_mem>>, %arg14: memref<!tpu.dma_semaphore, #tpu.memory_space<semaphore_mem>>, %arg15: memref<10112x128xf32, #tpu.memory_space<vmem_shared>>) attributes {dimension_semantics = [#tpu.dimension_semantics<core_parallel>, #tpu.dimension_semantics<subcore_parallel>], iteration_bounds = array<i64: 2, 16>, scalar_prefetch = 0 : i64, scratch_operands = 10 : i64, tpu.core_type = #tpu.core_type<sc_vector_subcore>, window_params = [{transform_indices = #map}, {transform_indices = #map}, {transform_indices = #map}, {transform_indices = #map1}]} {
    %mul3A = arith.constant 2 : i32
    %mul3A_0 = arith.muli %arg1, %mul3A : i32
    %add3A = arith.addi %mul3A_0, %arg0 : i32
    %mul3A_1 = arith.constant 9984 : i32
    %mul3A_2 = arith.muli %add3A, %mul3A_1 : i32
    %run_scoped3A = arith.constant 0 : i32
    "tpu.region"() ({
      %run_scoped3A_46 = tpu.sem_alloc : memref<!tpu.dma_semaphore, #tpu.memory_space<semaphore_mem>>
      %dma_start3A_47 = tpu.memref_slice %arg3[%run_scoped3A, %mul3A_2] : memref<2x320000xi32, #tpu.memory_space<hbm>> -> memref<1x9984xi32, #tpu.memory_space<hbm>>
      %dma_start3A_48 = tpu.memref_squeeze %dma_start3A_47 : memref<1x9984xi32, #tpu.memory_space<hbm>> -> memref<9984xi32, #tpu.memory_space<hbm>>
      %dma_start3A_49 = tpu.memref_slice %arg3[%run_scoped3A, %mul3A_2] : memref<2x320000xi32, #tpu.memory_space<hbm>> -> memref<1x9984xi32, #tpu.memory_space<hbm>>
      %dma_start3A_50 = tpu.memref_squeeze %dma_start3A_49 : memref<1x9984xi32, #tpu.memory_space<hbm>> -> memref<9984xi32, #tpu.memory_space<hbm>>
      tpu.enqueue_dma source(%dma_start3A_50 : memref<9984xi32, #tpu.memory_space<hbm>>) target(%arg6 : memref<9984xi32, #tpu.memory_space<vmem>>) target_semaphore(%run_scoped3A_46 : memref<!tpu.dma_semaphore, #tpu.memory_space<semaphore_mem>>)
      %dma_wait3A_51 = tpu.memref_slice %arg3[%run_scoped3A, %mul3A_2] : memref<2x320000xi32, #tpu.memory_space<hbm>> -> memref<1x9984xi32, #tpu.memory_space<hbm>>
      %dma_wait3A_52 = tpu.memref_squeeze %dma_wait3A_51 : memref<1x9984xi32, #tpu.memory_space<hbm>> -> memref<9984xi32, #tpu.memory_space<hbm>>
      %dma_wait3A_53 = tpu.memref_slice %arg3[%run_scoped3A, %mul3A_2] : memref<2x320000xi32, #tpu.memory_space<hbm>> -> memref<1x9984xi32, #tpu.memory_space<hbm>>
      %dma_wait3A_54 = tpu.memref_squeeze %dma_wait3A_53 : memref<1x9984xi32, #tpu.memory_space<hbm>> -> memref<9984xi32, #tpu.memory_space<hbm>>
      tpu.wait_dma2 semaphore(%run_scoped3A_46 : memref<!tpu.dma_semaphore, #tpu.memory_space<semaphore_mem>>) src(%dma_wait3A_54 : memref<9984xi32, #tpu.memory_space<hbm>>) dst(%arg6 : memref<9984xi32, #tpu.memory_space<vmem>>)
      tpu.yield
    }) : () -> ()
    %run_scoped3A_3 = arith.constant 1 : i32
    "tpu.region"() ({
      %run_scoped3A_46 = tpu.sem_alloc : memref<!tpu.dma_semaphore, #tpu.memory_space<semaphore_mem>>
      %dma_start3A_47 = tpu.memref_slice %arg3[%run_scoped3A_3, %mul3A_2] : memref<2x320000xi32, #tpu.memory_space<hbm>> -> memref<1x9984xi32, #tpu.memory_space<hbm>>
      %dma_start3A_48 = tpu.memref_squeeze %dma_start3A_47 : memref<1x9984xi32, #tpu.memory_space<hbm>> -> memref<9984xi32, #tpu.memory_space<hbm>>
      %dma_start3A_49 = tpu.memref_slice %arg3[%run_scoped3A_3, %mul3A_2] : memref<2x320000xi32, #tpu.memory_space<hbm>> -> memref<1x9984xi32, #tpu.memory_space<hbm>>
      %dma_start3A_50 = tpu.memref_squeeze %dma_start3A_49 : memref<1x9984xi32, #tpu.memory_space<hbm>> -> memref<9984xi32, #tpu.memory_space<hbm>>
      tpu.enqueue_dma source(%dma_start3A_50 : memref<9984xi32, #tpu.memory_space<hbm>>) target(%arg7 : memref<9984xi32, #tpu.memory_space<vmem>>) target_semaphore(%run_scoped3A_46 : memref<!tpu.dma_semaphore, #tpu.memory_space<semaphore_mem>>)
      %dma_wait3A_51 = tpu.memref_slice %arg3[%run_scoped3A_3, %mul3A_2] : memref<2x320000xi32, #tpu.memory_space<hbm>> -> memref<1x9984xi32, #tpu.memory_space<hbm>>
      %dma_wait3A_52 = tpu.memref_squeeze %dma_wait3A_51 : memref<1x9984xi32, #tpu.memory_space<hbm>> -> memref<9984xi32, #tpu.memory_space<hbm>>
      %dma_wait3A_53 = tpu.memref_slice %arg3[%run_scoped3A_3, %mul3A_2] : memref<2x320000xi32, #tpu.memory_space<hbm>> -> memref<1x9984xi32, #tpu.memory_space<hbm>>
      %dma_wait3A_54 = tpu.memref_squeeze %dma_wait3A_53 : memref<1x9984xi32, #tpu.memory_space<hbm>> -> memref<9984xi32, #tpu.memory_space<hbm>>
      tpu.wait_dma2 semaphore(%run_scoped3A_46 : memref<!tpu.dma_semaphore, #tpu.memory_space<semaphore_mem>>) src(%dma_wait3A_54 : memref<9984xi32, #tpu.memory_space<hbm>>) dst(%arg7 : memref<9984xi32, #tpu.memory_space<vmem>>)
      tpu.yield
    }) : () -> ()
    %dma_start3A = arith.constant 0 : i32
    %dma_start3A_4 = arith.constant 0 : i32
    %dma_start3A_5 = arith.constant 0 : i32
    %dma_start3A_6 = tpu.memref_slice %arg8[%dma_start3A, %dma_start3A_4, %dma_start3A_5] : memref<3x64x128xf32, #tpu.memory_space<vmem>> -> memref<1x64x128xf32, #tpu.memory_space<vmem>>
    %dma_start3A_7 = tpu.memref_squeeze %dma_start3A_6 : memref<1x64x128xf32, #tpu.memory_space<vmem>> -> memref<64x128xf32, #tpu.memory_space<vmem>>
    %dma_start3A_8 = arith.constant 0 : i32
    %dma_start3A_9 = tpu.memref_slice %arg6[%dma_start3A_8] : memref<9984xi32, #tpu.memory_space<vmem>> -> memref<64xi32, #tpu.memory_space<vmem>>
    %dma_start3A_10 = arith.constant 0 : i32
    %dma_start3A_11 = arith.constant 0 : i32
    %dma_start3A_12 = tpu.memref_slice %arg2[%dma_start3A_10, %dma_start3A_11] : memref<10000x128xf32, #tpu.memory_space<hbm>> -> memref<10000x128xf32, #tpu.memory_space<hbm>>
    tpu.enqueue_indirect_dma source(%dma_start3A_12 : memref<10000x128xf32, #tpu.memory_space<hbm>>) target(%dma_start3A_7 : memref<64x128xf32, #tpu.memory_space<vmem>>) offsets(%dma_start3A_9 : memref<64xi32, #tpu.memory_space<vmem>>) semaphore(%arg9 : memref<!tpu.dma_semaphore, #tpu.memory_space<semaphore_mem>>)
    %dma_start3A_13 = arith.constant 1 : i32
    %dma_start3A_14 = arith.constant 0 : i32
    %dma_start3A_15 = arith.constant 0 : i32
    %dma_start3A_16 = tpu.memref_slice %arg8[%dma_start3A_13, %dma_start3A_14, %dma_start3A_15] : memref<3x64x128xf32, #tpu.memory_space<vmem>> -> memref<1x64x128xf32, #tpu.memory_space<vmem>>
    %dma_start3A_17 = tpu.memref_squeeze %dma_start3A_16 : memref<1x64x128xf32, #tpu.memory_space<vmem>> -> memref<64x128xf32, #tpu.memory_space<vmem>>
    %dma_start3A_18 = arith.constant 64 : i32
    %dma_start3A_19 = tpu.memref_slice %arg6[%dma_start3A_18] : memref<9984xi32, #tpu.memory_space<vmem>> -> memref<64xi32, #tpu.memory_space<vmem>>
    %dma_start3A_20 = arith.constant 0 : i32
    %dma_start3A_21 = arith.constant 0 : i32
    %dma_start3A_22 = tpu.memref_slice %arg2[%dma_start3A_20, %dma_start3A_21] : memref<10000x128xf32, #tpu.memory_space<hbm>> -> memref<10000x128xf32, #tpu.memory_space<hbm>>
    tpu.enqueue_indirect_dma source(%dma_start3A_22 : memref<10000x128xf32, #tpu.memory_space<hbm>>) target(%dma_start3A_17 : memref<64x128xf32, #tpu.memory_space<vmem>>) offsets(%dma_start3A_19 : memref<64xi32, #tpu.memory_space<vmem>>) semaphore(%arg10 : memref<!tpu.dma_semaphore, #tpu.memory_space<semaphore_mem>>)
    %mul3A_23 = arith.constant 632 : i32
    %mul3A_24 = arith.muli %arg1, %mul3A_23 : i32
    "tpu.region"() ({
      %run_scoped3A_46 = tpu.sem_alloc : memref<!tpu.dma_semaphore, #tpu.memory_space<semaphore_mem>>
      %dma_start3A_47 = arith.constant 0 : i32
      %dma_start3A_48 = tpu.memref_slice %arg15[%mul3A_24, %dma_start3A_47] : memref<10112x128xf32, #tpu.memory_space<vmem_shared>> -> memref<632x128xf32, #tpu.memory_space<vmem_shared>>
      tpu.enqueue_dma source(%arg4 : memref<632x128xf32, #tpu.memory_space<hbm>>) target(%dma_start3A_48 : memref<632x128xf32, #tpu.memory_space<vmem_shared>>) target_semaphore(%run_scoped3A_46 : memref<!tpu.dma_semaphore, #tpu.memory_space<semaphore_mem>>)
      %dma_wait3A_49 = arith.constant 0 : i32
      %dma_wait3A_50 = tpu.memref_slice %arg15[%mul3A_24, %dma_wait3A_49] : memref<10112x128xf32, #tpu.memory_space<vmem_shared>> -> memref<632x128xf32, #tpu.memory_space<vmem_shared>>
      tpu.wait_dma2 semaphore(%run_scoped3A_46 : memref<!tpu.dma_semaphore, #tpu.memory_space<semaphore_mem>>) src(%arg4 : memref<632x128xf32, #tpu.memory_space<hbm>>) dst(%dma_wait3A_50 : memref<632x128xf32, #tpu.memory_space<vmem_shared>>)
      tpu.yield
    }) : () -> ()
    %barrier3A = arith.constant 0 : index
    tpu.barrier barrier_id(%barrier3A)
    %scan3A = arith.constant 0 : i32
    %scan3A_25 = arith.constant 0 : i32
    %scan3A_26 = arith.constant 52 : i32
    %scan3A_27 = arith.addi %scan3A_25, %scan3A_26 : i32
    %scan3A_28 = arith.constant 1 : i32
    scf.for %scan3A_46 = %scan3A_25 to %scan3A_27 step %scan3A_28  : i32 {
      %mul3A_47 = arith.constant 3 : i32
      %mul3A_48 = arith.muli %mul3A_47, %scan3A_46 : i32
      %add3A_49 = arith.constant 0 : i32
      %add3A_50 = arith.addi %mul3A_48, %add3A_49 : i32
      %mul3A_51 = arith.constant 64 : i32
      %mul3A_52 = arith.muli %add3A_50, %mul3A_51 : i32
      %dma_wait3A_53 = arith.constant 0 : i32
      %dma_wait3A_54 = arith.constant 0 : i32
      %dma_wait3A_55 = arith.constant 0 : i32
      %dma_wait3A_56 = tpu.memref_slice %arg8[%dma_wait3A_53, %dma_wait3A_54, %dma_wait3A_55] : memref<3x64x128xf32, #tpu.memory_space<vmem>> -> memref<1x64x128xf32, #tpu.memory_space<vmem>>
      %dma_wait3A_57 = tpu.memref_squeeze %dma_wait3A_56 : memref<1x64x128xf32, #tpu.memory_space<vmem>> -> memref<64x128xf32, #tpu.memory_space<vmem>>
      %dma_wait3A_58 = arith.constant 0 : i32
      %dma_wait3A_59 = tpu.memref_slice %arg6[%dma_wait3A_58] : memref<9984xi32, #tpu.memory_space<vmem>> -> memref<64xi32, #tpu.memory_space<vmem>>
      %dma_wait3A_60 = arith.constant 0 : i32
      %dma_wait3A_61 = arith.constant 0 : i32
      %dma_wait3A_62 = tpu.memref_slice %arg2[%dma_wait3A_60, %dma_wait3A_61] : memref<10000x128xf32, #tpu.memory_space<hbm>> -> memref<10000x128xf32, #tpu.memory_space<hbm>>
      tpu.wait_indirect_dma semaphore(%arg9 : memref<!tpu.dma_semaphore, #tpu.memory_space<semaphore_mem>>) src(%dma_wait3A_62 : memref<10000x128xf32, #tpu.memory_space<hbm>>) dst(%dma_wait3A_57 : memref<64x128xf32, #tpu.memory_space<vmem>>)
      %dma_start3A_63 = arith.constant 0 : i32
      %dma_start3A_64 = arith.constant 0 : i32
      %dma_start3A_65 = arith.constant 0 : i32
      %dma_start3A_66 = tpu.memref_slice %arg8[%dma_start3A_63, %dma_start3A_64, %dma_start3A_65] : memref<3x64x128xf32, #tpu.memory_space<vmem>> -> memref<1x64x128xf32, #tpu.memory_space<vmem>>
      %dma_start3A_67 = tpu.memref_squeeze %dma_start3A_66 : memref<1x64x128xf32, #tpu.memory_space<vmem>> -> memref<64x128xf32, #tpu.memory_space<vmem>>
      %dma_start3A_68 = tpu.memref_slice %arg7[%mul3A_52] : memref<9984xi32, #tpu.memory_space<vmem>> -> memref<64xi32, #tpu.memory_space<vmem>>
      %dma_start3A_69 = arith.constant 0 : i32
      %dma_start3A_70 = arith.constant 0 : i32
      %dma_start3A_71 = tpu.memref_slice %arg15[%dma_start3A_69, %dma_start3A_70] : memref<10112x128xf32, #tpu.memory_space<vmem_shared>> -> memref<10112x128xf32, #tpu.memory_space<vmem_shared>>
      tpu.enqueue_indirect_dma source(%dma_start3A_67 : memref<64x128xf32, #tpu.memory_space<vmem>>) target(%dma_start3A_71 : memref<10112x128xf32, #tpu.memory_space<vmem_shared>>) offsets(%dma_start3A_68 : memref<64xi32, #tpu.memory_space<vmem>>) semaphore(%arg12 : memref<!tpu.dma_semaphore, #tpu.memory_space<semaphore_mem>>) {add = true}
      %mul3A_72 = arith.constant 3 : i32
      %mul3A_73 = arith.muli %mul3A_72, %scan3A_46 : i32
      %add3A_74 = arith.constant 0 : i32
      %add3A_75 = arith.addi %mul3A_73, %add3A_74 : i32
      %add3A_76 = arith.constant 2 : i32
      %add3A_77 = arith.addi %add3A_75, %add3A_76 : i32
      %mul3A_78 = arith.constant 64 : i32
      %mul3A_79 = arith.muli %add3A_77, %mul3A_78 : i32
      %gt3A = arith.constant 0 : i32
      %gt3A_80 = arith.cmpi sgt, %scan3A_46, %gt3A : i32
      %convert_element_type3A_81 = arith.extui %gt3A_80 : i1 to i32
      %cond3A_82 = arith.constant 0 : i32
      %cond3A_83 = arith.cmpi ne, %convert_element_type3A_81, %cond3A_82 : i32
      scf.if %cond3A_83 {
        %dma_wait3A_189 = arith.constant 2 : i32
        %dma_wait3A_190 = arith.constant 0 : i32
        %dma_wait3A_191 = arith.constant 0 : i32
        %dma_wait3A_192 = tpu.memref_slice %arg8[%dma_wait3A_189, %dma_wait3A_190, %dma_wait3A_191] : memref<3x64x128xf32, #tpu.memory_space<vmem>> -> memref<1x64x128xf32, #tpu.memory_space<vmem>>
        %dma_wait3A_193 = tpu.memref_squeeze %dma_wait3A_192 : memref<1x64x128xf32, #tpu.memory_space<vmem>> -> memref<64x128xf32, #tpu.memory_space<vmem>>
        %dma_wait3A_194 = arith.constant 0 : i32
        %dma_wait3A_195 = tpu.memref_slice %arg7[%dma_wait3A_194] : memref<9984xi32, #tpu.memory_space<vmem>> -> memref<64xi32, #tpu.memory_space<vmem>>
        %dma_wait3A_196 = arith.constant 0 : i32
        %dma_wait3A_197 = arith.constant 0 : i32
        %dma_wait3A_198 = tpu.memref_slice %arg15[%dma_wait3A_196, %dma_wait3A_197] : memref<10112x128xf32, #tpu.memory_space<vmem_shared>> -> memref<10112x128xf32, #tpu.memory_space<vmem_shared>>
        tpu.wait_indirect_dma semaphore(%arg14 : memref<!tpu.dma_semaphore, #tpu.memory_space<semaphore_mem>>) src(%dma_wait3A_193 : memref<64x128xf32, #tpu.memory_space<vmem>>) dst(%dma_wait3A_198 : memref<10112x128xf32, #tpu.memory_space<vmem_shared>>)
      } else {
      }
      %dma_start3A_84 = arith.constant 2 : i32
      %dma_start3A_85 = arith.constant 0 : i32
      %dma_start3A_86 = arith.constant 0 : i32
      %dma_start3A_87 = tpu.memref_slice %arg8[%dma_start3A_84, %dma_start3A_85, %dma_start3A_86] : memref<3x64x128xf32, #tpu.memory_space<vmem>> -> memref<1x64x128xf32, #tpu.memory_space<vmem>>
      %dma_start3A_88 = tpu.memref_squeeze %dma_start3A_87 : memref<1x64x128xf32, #tpu.memory_space<vmem>> -> memref<64x128xf32, #tpu.memory_space<vmem>>
      %dma_start3A_89 = tpu.memref_slice %arg6[%mul3A_79] : memref<9984xi32, #tpu.memory_space<vmem>> -> memref<64xi32, #tpu.memory_space<vmem>>
      %dma_start3A_90 = arith.constant 0 : i32
      %dma_start3A_91 = arith.constant 0 : i32
      %dma_start3A_92 = tpu.memref_slice %arg2[%dma_start3A_90, %dma_start3A_91] : memref<10000x128xf32, #tpu.memory_space<hbm>> -> memref<10000x128xf32, #tpu.memory_space<hbm>>
      tpu.enqueue_indirect_dma source(%dma_start3A_92 : memref<10000x128xf32, #tpu.memory_space<hbm>>) target(%dma_start3A_88 : memref<64x128xf32, #tpu.memory_space<vmem>>) offsets(%dma_start3A_89 : memref<64xi32, #tpu.memory_space<vmem>>) semaphore(%arg11 : memref<!tpu.dma_semaphore, #tpu.memory_space<semaphore_mem>>)
      %mul3A_93 = arith.constant 3 : i32
      %mul3A_94 = arith.muli %mul3A_93, %scan3A_46 : i32
      %add3A_95 = arith.constant 1 : i32
      %add3A_96 = arith.addi %mul3A_94, %add3A_95 : i32
      %mul3A_97 = arith.constant 64 : i32
      %mul3A_98 = arith.muli %add3A_96, %mul3A_97 : i32
      %dma_wait3A_99 = arith.constant 1 : i32
      %dma_wait3A_100 = arith.constant 0 : i32
      %dma_wait3A_101 = arith.constant 0 : i32
      %dma_wait3A_102 = tpu.memref_slice %arg8[%dma_wait3A_99, %dma_wait3A_100, %dma_wait3A_101] : memref<3x64x128xf32, #tpu.memory_space<vmem>> -> memref<1x64x128xf32, #tpu.memory_space<vmem>>
      %dma_wait3A_103 = tpu.memref_squeeze %dma_wait3A_102 : memref<1x64x128xf32, #tpu.memory_space<vmem>> -> memref<64x128xf32, #tpu.memory_space<vmem>>
      %dma_wait3A_104 = arith.constant 0 : i32
      %dma_wait3A_105 = tpu.memref_slice %arg6[%dma_wait3A_104] : memref<9984xi32, #tpu.memory_space<vmem>> -> memref<64xi32, #tpu.memory_space<vmem>>
      %dma_wait3A_106 = arith.constant 0 : i32
      %dma_wait3A_107 = arith.constant 0 : i32
      %dma_wait3A_108 = tpu.memref_slice %arg2[%dma_wait3A_106, %dma_wait3A_107] : memref<10000x128xf32, #tpu.memory_space<hbm>> -> memref<10000x128xf32, #tpu.memory_space<hbm>>
      tpu.wait_indirect_dma semaphore(%arg10 : memref<!tpu.dma_semaphore, #tpu.memory_space<semaphore_mem>>) src(%dma_wait3A_108 : memref<10000x128xf32, #tpu.memory_space<hbm>>) dst(%dma_wait3A_103 : memref<64x128xf32, #tpu.memory_space<vmem>>)
      %dma_start3A_109 = arith.constant 1 : i32
      %dma_start3A_110 = arith.constant 0 : i32
      %dma_start3A_111 = arith.constant 0 : i32
      %dma_start3A_112 = tpu.memref_slice %arg8[%dma_start3A_109, %dma_start3A_110, %dma_start3A_111] : memref<3x64x128xf32, #tpu.memory_space<vmem>> -> memref<1x64x128xf32, #tpu.memory_space<vmem>>
      %dma_start3A_113 = tpu.memref_squeeze %dma_start3A_112 : memref<1x64x128xf32, #tpu.memory_space<vmem>> -> memref<64x128xf32, #tpu.memory_space<vmem>>
      %dma_start3A_114 = tpu.memref_slice %arg7[%mul3A_98] : memref<9984xi32, #tpu.memory_space<vmem>> -> memref<64xi32, #tpu.memory_space<vmem>>
      %dma_start3A_115 = arith.constant 0 : i32
      %dma_start3A_116 = arith.constant 0 : i32
      %dma_start3A_117 = tpu.memref_slice %arg15[%dma_start3A_115, %dma_start3A_116] : memref<10112x128xf32, #tpu.memory_space<vmem_shared>> -> memref<10112x128xf32, #tpu.memory_space<vmem_shared>>
      tpu.enqueue_indirect_dma source(%dma_start3A_113 : memref<64x128xf32, #tpu.memory_space<vmem>>) target(%dma_start3A_117 : memref<10112x128xf32, #tpu.memory_space<vmem_shared>>) offsets(%dma_start3A_114 : memref<64xi32, #tpu.memory_space<vmem>>) semaphore(%arg13 : memref<!tpu.dma_semaphore, #tpu.memory_space<semaphore_mem>>) {add = true}
      %mul3A_118 = arith.constant 3 : i32
      %mul3A_119 = arith.muli %mul3A_118, %scan3A_46 : i32
      %add3A_120 = arith.constant 1 : i32
      %add3A_121 = arith.addi %mul3A_119, %add3A_120 : i32
      %add3A_122 = arith.constant 2 : i32
      %add3A_123 = arith.addi %add3A_121, %add3A_122 : i32
      %mul3A_124 = arith.constant 64 : i32
      %mul3A_125 = arith.muli %add3A_123, %mul3A_124 : i32
      %dma_wait3A_126 = arith.constant 0 : i32
      %dma_wait3A_127 = arith.constant 0 : i32
      %dma_wait3A_128 = arith.constant 0 : i32
      %dma_wait3A_129 = tpu.memref_slice %arg8[%dma_wait3A_126, %dma_wait3A_127, %dma_wait3A_128] : memref<3x64x128xf32, #tpu.memory_space<vmem>> -> memref<1x64x128xf32, #tpu.memory_space<vmem>>
      %dma_wait3A_130 = tpu.memref_squeeze %dma_wait3A_129 : memref<1x64x128xf32, #tpu.memory_space<vmem>> -> memref<64x128xf32, #tpu.memory_space<vmem>>
      %dma_wait3A_131 = arith.constant 0 : i32
      %dma_wait3A_132 = tpu.memref_slice %arg7[%dma_wait3A_131] : memref<9984xi32, #tpu.memory_space<vmem>> -> memref<64xi32, #tpu.memory_space<vmem>>
      %dma_wait3A_133 = arith.constant 0 : i32
      %dma_wait3A_134 = arith.constant 0 : i32
      %dma_wait3A_135 = tpu.memref_slice %arg15[%dma_wait3A_133, %dma_wait3A_134] : memref<10112x128xf32, #tpu.memory_space<vmem_shared>> -> memref<10112x128xf32, #tpu.memory_space<vmem_shared>>
      tpu.wait_indirect_dma semaphore(%arg12 : memref<!tpu.dma_semaphore, #tpu.memory_space<semaphore_mem>>) src(%dma_wait3A_130 : memref<64x128xf32, #tpu.memory_space<vmem>>) dst(%dma_wait3A_135 : memref<10112x128xf32, #tpu.memory_space<vmem_shared>>)
      %lt3A_136 = arith.constant 51 : i32
      %lt3A_137 = arith.cmpi slt, %scan3A_46, %lt3A_136 : i32
      %convert_element_type3A_138 = arith.extui %lt3A_137 : i1 to i32
      %cond3A_139 = arith.constant 0 : i32
      %cond3A_140 = arith.cmpi ne, %convert_element_type3A_138, %cond3A_139 : i32
      scf.if %cond3A_140 {
        %dma_start3A_189 = arith.constant 0 : i32
        %dma_start3A_190 = arith.constant 0 : i32
        %dma_start3A_191 = arith.constant 0 : i32
        %dma_start3A_192 = tpu.memref_slice %arg8[%dma_start3A_189, %dma_start3A_190, %dma_start3A_191] : memref<3x64x128xf32, #tpu.memory_space<vmem>> -> memref<1x64x128xf32, #tpu.memory_space<vmem>>
        %dma_start3A_193 = tpu.memref_squeeze %dma_start3A_192 : memref<1x64x128xf32, #tpu.memory_space<vmem>> -> memref<64x128xf32, #tpu.memory_space<vmem>>
        %dma_start3A_194 = tpu.memref_slice %arg6[%mul3A_125] : memref<9984xi32, #tpu.memory_space<vmem>> -> memref<64xi32, #tpu.memory_space<vmem>>
        %dma_start3A_195 = arith.constant 0 : i32
        %dma_start3A_196 = arith.constant 0 : i32
        %dma_start3A_197 = tpu.memref_slice %arg2[%dma_start3A_195, %dma_start3A_196] : memref<10000x128xf32, #tpu.memory_space<hbm>> -> memref<10000x128xf32, #tpu.memory_space<hbm>>
        tpu.enqueue_indirect_dma source(%dma_start3A_197 : memref<10000x128xf32, #tpu.memory_space<hbm>>) target(%dma_start3A_193 : memref<64x128xf32, #tpu.memory_space<vmem>>) offsets(%dma_start3A_194 : memref<64xi32, #tpu.memory_space<vmem>>) semaphore(%arg9 : memref<!tpu.dma_semaphore, #tpu.memory_space<semaphore_mem>>)
      } else {
      }
      %mul3A_141 = arith.constant 3 : i32
      %mul3A_142 = arith.muli %mul3A_141, %scan3A_46 : i32
      %add3A_143 = arith.constant 2 : i32
      %add3A_144 = arith.addi %mul3A_142, %add3A_143 : i32
      %mul3A_145 = arith.constant 64 : i32
      %mul3A_146 = arith.muli %add3A_144, %mul3A_145 : i32
      %dma_wait3A_147 = arith.constant 2 : i32
      %dma_wait3A_148 = arith.constant 0 : i32
      %dma_wait3A_149 = arith.constant 0 : i32
      %dma_wait3A_150 = tpu.memref_slice %arg8[%dma_wait3A_147, %dma_wait3A_148, %dma_wait3A_149] : memref<3x64x128xf32, #tpu.memory_space<vmem>> -> memref<1x64x128xf32, #tpu.memory_space<vmem>>
      %dma_wait3A_151 = tpu.memref_squeeze %dma_wait3A_150 : memref<1x64x128xf32, #tpu.memory_space<vmem>> -> memref<64x128xf32, #tpu.memory_space<vmem>>
      %dma_wait3A_152 = arith.constant 0 : i32
      %dma_wait3A_153 = tpu.memref_slice %arg6[%dma_wait3A_152] : memref<9984xi32, #tpu.memory_space<vmem>> -> memref<64xi32, #tpu.memory_space<vmem>>
      %dma_wait3A_154 = arith.constant 0 : i32
      %dma_wait3A_155 = arith.constant 0 : i32
      %dma_wait3A_156 = tpu.memref_slice %arg2[%dma_wait3A_154, %dma_wait3A_155] : memref<10000x128xf32, #tpu.memory_space<hbm>> -> memref<10000x128xf32, #tpu.memory_space<hbm>>
      tpu.wait_indirect_dma semaphore(%arg11 : memref<!tpu.dma_semaphore, #tpu.memory_space<semaphore_mem>>) src(%dma_wait3A_156 : memref<10000x128xf32, #tpu.memory_space<hbm>>) dst(%dma_wait3A_151 : memref<64x128xf32, #tpu.memory_space<vmem>>)
      %dma_start3A_157 = arith.constant 2 : i32
      %dma_start3A_158 = arith.constant 0 : i32
      %dma_start3A_159 = arith.constant 0 : i32
      %dma_start3A_160 = tpu.memref_slice %arg8[%dma_start3A_157, %dma_start3A_158, %dma_start3A_159] : memref<3x64x128xf32, #tpu.memory_space<vmem>> -> memref<1x64x128xf32, #tpu.memory_space<vmem>>
      %dma_start3A_161 = tpu.memref_squeeze %dma_start3A_160 : memref<1x64x128xf32, #tpu.memory_space<vmem>> -> memref<64x128xf32, #tpu.memory_space<vmem>>
      %dma_start3A_162 = tpu.memref_slice %arg7[%mul3A_146] : memref<9984xi32, #tpu.memory_space<vmem>> -> memref<64xi32, #tpu.memory_space<vmem>>
      %dma_start3A_163 = arith.constant 0 : i32
      %dma_start3A_164 = arith.constant 0 : i32
      %dma_start3A_165 = tpu.memref_slice %arg15[%dma_start3A_163, %dma_start3A_164] : memref<10112x128xf32, #tpu.memory_space<vmem_shared>> -> memref<10112x128xf32, #tpu.memory_space<vmem_shared>>
      tpu.enqueue_indirect_dma source(%dma_start3A_161 : memref<64x128xf32, #tpu.memory_space<vmem>>) target(%dma_start3A_165 : memref<10112x128xf32, #tpu.memory_space<vmem_shared>>) offsets(%dma_start3A_162 : memref<64xi32, #tpu.memory_space<vmem>>) semaphore(%arg14 : memref<!tpu.dma_semaphore, #tpu.memory_space<semaphore_mem>>) {add = true}
      %mul3A_166 = arith.constant 3 : i32
      %mul3A_167 = arith.muli %mul3A_166, %scan3A_46 : i32
      %add3A_168 = arith.constant 2 : i32
      %add3A_169 = arith.addi %mul3A_167, %add3A_168 : i32
      %add3A_170 = arith.constant 2 : i32
      %add3A_171 = arith.addi %add3A_169, %add3A_170 : i32
      %mul3A_172 = arith.constant 64 : i32
      %mul3A_173 = arith.muli %add3A_171, %mul3A_172 : i32
      %dma_wait3A_174 = arith.constant 1 : i32
      %dma_wait3A_175 = arith.constant 0 : i32
      %dma_wait3A_176 = arith.constant 0 : i32
      %dma_wait3A_177 = tpu.memref_slice %arg8[%dma_wait3A_174, %dma_wait3A_175, %dma_wait3A_176] : memref<3x64x128xf32, #tpu.memory_space<vmem>> -> memref<1x64x128xf32, #tpu.memory_space<vmem>>
      %dma_wait3A_178 = tpu.memref_squeeze %dma_wait3A_177 : memref<1x64x128xf32, #tpu.memory_space<vmem>> -> memref<64x128xf32, #tpu.memory_space<vmem>>
      %dma_wait3A_179 = arith.constant 0 : i32
      %dma_wait3A_180 = tpu.memref_slice %arg7[%dma_wait3A_179] : memref<9984xi32, #tpu.memory_space<vmem>> -> memref<64xi32, #tpu.memory_space<vmem>>
      %dma_wait3A_181 = arith.constant 0 : i32
      %dma_wait3A_182 = arith.constant 0 : i32
      %dma_wait3A_183 = tpu.memref_slice %arg15[%dma_wait3A_181, %dma_wait3A_182] : memref<10112x128xf32, #tpu.memory_space<vmem_shared>> -> memref<10112x128xf32, #tpu.memory_space<vmem_shared>>
      tpu.wait_indirect_dma semaphore(%arg13 : memref<!tpu.dma_semaphore, #tpu.memory_space<semaphore_mem>>) src(%dma_wait3A_178 : memref<64x128xf32, #tpu.memory_space<vmem>>) dst(%dma_wait3A_183 : memref<10112x128xf32, #tpu.memory_space<vmem_shared>>)
      %lt3A_184 = arith.constant 51 : i32
      %lt3A_185 = arith.cmpi slt, %scan3A_46, %lt3A_184 : i32
      %convert_element_type3A_186 = arith.extui %lt3A_185 : i1 to i32
      %cond3A_187 = arith.constant 0 : i32
      %cond3A_188 = arith.cmpi ne, %convert_element_type3A_186, %cond3A_187 : i32
      scf.if %cond3A_188 {
        %dma_start3A_189 = arith.constant 1 : i32
        %dma_start3A_190 = arith.constant 0 : i32
        %dma_start3A_191 = arith.constant 0 : i32
        %dma_start3A_192 = tpu.memref_slice %arg8[%dma_start3A_189, %dma_start3A_190, %dma_start3A_191] : memref<3x64x128xf32, #tpu.memory_space<vmem>> -> memref<1x64x128xf32, #tpu.memory_space<vmem>>
        %dma_start3A_193 = tpu.memref_squeeze %dma_start3A_192 : memref<1x64x128xf32, #tpu.memory_space<vmem>> -> memref<64x128xf32, #tpu.memory_space<vmem>>
        %dma_start3A_194 = tpu.memref_slice %arg6[%mul3A_173] : memref<9984xi32, #tpu.memory_space<vmem>> -> memref<64xi32, #tpu.memory_space<vmem>>
        %dma_start3A_195 = arith.constant 0 : i32
        %dma_start3A_196 = arith.constant 0 : i32
        %dma_start3A_197 = tpu.memref_slice %arg2[%dma_start3A_195, %dma_start3A_196] : memref<10000x128xf32, #tpu.memory_space<hbm>> -> memref<10000x128xf32, #tpu.memory_space<hbm>>
        tpu.enqueue_indirect_dma source(%dma_start3A_197 : memref<10000x128xf32, #tpu.memory_space<hbm>>) target(%dma_start3A_193 : memref<64x128xf32, #tpu.memory_space<vmem>>) offsets(%dma_start3A_194 : memref<64xi32, #tpu.memory_space<vmem>>) semaphore(%arg10 : memref<!tpu.dma_semaphore, #tpu.memory_space<semaphore_mem>>)
      } else {
      }
    }
    %scan3A_29 = arith.constant 52 : i32
    %dma_wait3A = arith.constant 2 : i32
    %dma_wait3A_30 = arith.constant 0 : i32
    %dma_wait3A_31 = arith.constant 0 : i32
    %dma_wait3A_32 = tpu.memref_slice %arg8[%dma_wait3A, %dma_wait3A_30, %dma_wait3A_31] : memref<3x64x128xf32, #tpu.memory_space<vmem>> -> memref<1x64x128xf32, #tpu.memory_space<vmem>>
    %dma_wait3A_33 = tpu.memref_squeeze %dma_wait3A_32 : memref<1x64x128xf32, #tpu.memory_space<vmem>> -> memref<64x128xf32, #tpu.memory_space<vmem>>
    %dma_wait3A_34 = arith.constant 0 : i32
    %dma_wait3A_35 = tpu.memref_slice %arg7[%dma_wait3A_34] : memref<9984xi32, #tpu.memory_space<vmem>> -> memref<64xi32, #tpu.memory_space<vmem>>
    %dma_wait3A_36 = arith.constant 0 : i32
    %dma_wait3A_37 = arith.constant 0 : i32
    %dma_wait3A_38 = tpu.memref_slice %arg15[%dma_wait3A_36, %dma_wait3A_37] : memref<10112x128xf32, #tpu.memory_space<vmem_shared>> -> memref<10112x128xf32, #tpu.memory_space<vmem_shared>>
    tpu.wait_indirect_dma semaphore(%arg14 : memref<!tpu.dma_semaphore, #tpu.memory_space<semaphore_mem>>) src(%dma_wait3A_33 : memref<64x128xf32, #tpu.memory_space<vmem>>) dst(%dma_wait3A_38 : memref<10112x128xf32, #tpu.memory_space<vmem_shared>>)
    %lt3A = arith.constant 8 : i32
    %lt3A_39 = arith.cmpi slt, %add3A, %lt3A : i32
    %convert_element_type3A = arith.extui %lt3A_39 : i1 to i32
    %cond3A = arith.constant 0 : i32
    %cond3A_40 = arith.cmpi ne, %convert_element_type3A, %cond3A : i32
    scf.if %cond3A_40 {
      %add3A_46 = arith.constant 4992 : i32
      %add3A_47 = arith.addi %add3A_46, %add3A : i32
      %mul3A_48 = arith.constant 64 : i32
      %mul3A_49 = arith.muli %add3A_47, %mul3A_48 : i32
      %run_scoped3A_50 = arith.constant 0 : i32
      "tpu.region"() ({
        %run_scoped3A_73 = tpu.sem_alloc : memref<!tpu.dma_semaphore, #tpu.memory_space<semaphore_mem>>
        %dma_start3A_74 = arith.constant 0 : i32
        %dma_start3A_75 = tpu.memref_slice %arg6[%dma_start3A_74] : memref<9984xi32, #tpu.memory_space<vmem>> -> memref<64xi32, #tpu.memory_space<vmem>>
        %dma_start3A_76 = tpu.memref_slice %arg3[%run_scoped3A_50, %mul3A_49] : memref<2x320000xi32, #tpu.memory_space<hbm>> -> memref<1x64xi32, #tpu.memory_space<hbm>>
        %dma_start3A_77 = tpu.memref_squeeze %dma_start3A_76 : memref<1x64xi32, #tpu.memory_space<hbm>> -> memref<64xi32, #tpu.memory_space<hbm>>
        %dma_start3A_78 = arith.constant 0 : i32
        %dma_start3A_79 = tpu.memref_slice %arg6[%dma_start3A_78] : memref<9984xi32, #tpu.memory_space<vmem>> -> memref<64xi32, #tpu.memory_space<vmem>>
        %dma_start3A_80 = tpu.memref_slice %arg3[%run_scoped3A_50, %mul3A_49] : memref<2x320000xi32, #tpu.memory_space<hbm>> -> memref<1x64xi32, #tpu.memory_space<hbm>>
        %dma_start3A_81 = tpu.memref_squeeze %dma_start3A_80 : memref<1x64xi32, #tpu.memory_space<hbm>> -> memref<64xi32, #tpu.memory_space<hbm>>
        tpu.enqueue_dma source(%dma_start3A_81 : memref<64xi32, #tpu.memory_space<hbm>>) target(%dma_start3A_79 : memref<64xi32, #tpu.memory_space<vmem>>) target_semaphore(%run_scoped3A_73 : memref<!tpu.dma_semaphore, #tpu.memory_space<semaphore_mem>>)
        %dma_wait3A_82 = arith.constant 0 : i32
        %dma_wait3A_83 = tpu.memref_slice %arg6[%dma_wait3A_82] : memref<9984xi32, #tpu.memory_space<vmem>> -> memref<64xi32, #tpu.memory_space<vmem>>
        %dma_wait3A_84 = tpu.memref_slice %arg3[%run_scoped3A_50, %mul3A_49] : memref<2x320000xi32, #tpu.memory_space<hbm>> -> memref<1x64xi32, #tpu.memory_space<hbm>>
        %dma_wait3A_85 = tpu.memref_squeeze %dma_wait3A_84 : memref<1x64xi32, #tpu.memory_space<hbm>> -> memref<64xi32, #tpu.memory_space<hbm>>
        %dma_wait3A_86 = arith.constant 0 : i32
        %dma_wait3A_87 = tpu.memref_slice %arg6[%dma_wait3A_86] : memref<9984xi32, #tpu.memory_space<vmem>> -> memref<64xi32, #tpu.memory_space<vmem>>
        %dma_wait3A_88 = tpu.memref_slice %arg3[%run_scoped3A_50, %mul3A_49] : memref<2x320000xi32, #tpu.memory_space<hbm>> -> memref<1x64xi32, #tpu.memory_space<hbm>>
        %dma_wait3A_89 = tpu.memref_squeeze %dma_wait3A_88 : memref<1x64xi32, #tpu.memory_space<hbm>> -> memref<64xi32, #tpu.memory_space<hbm>>
        tpu.wait_dma2 semaphore(%run_scoped3A_73 : memref<!tpu.dma_semaphore, #tpu.memory_space<semaphore_mem>>) src(%dma_wait3A_89 : memref<64xi32, #tpu.memory_space<hbm>>) dst(%dma_wait3A_87 : memref<64xi32, #tpu.memory_space<vmem>>)
        tpu.yield
      }) : () -> ()
      %run_scoped3A_51 = arith.constant 1 : i32
      "tpu.region"() ({
        %run_scoped3A_73 = tpu.sem_alloc : memref<!tpu.dma_semaphore, #tpu.memory_space<semaphore_mem>>
        %dma_start3A_74 = arith.constant 0 : i32
        %dma_start3A_75 = tpu.memref_slice %arg7[%dma_start3A_74] : memref<9984xi32, #tpu.memory_space<vmem>> -> memref<64xi32, #tpu.memory_space<vmem>>
        %dma_start3A_76 = tpu.memref_slice %arg3[%run_scoped3A_51, %mul3A_49] : memref<2x320000xi32, #tpu.memory_space<hbm>> -> memref<1x64xi32, #tpu.memory_space<hbm>>
        %dma_start3A_77 = tpu.memref_squeeze %dma_start3A_76 : memref<1x64xi32, #tpu.memory_space<hbm>> -> memref<64xi32, #tpu.memory_space<hbm>>
        %dma_start3A_78 = arith.constant 0 : i32
        %dma_start3A_79 = tpu.memref_slice %arg7[%dma_start3A_78] : memref<9984xi32, #tpu.memory_space<vmem>> -> memref<64xi32, #tpu.memory_space<vmem>>
        %dma_start3A_80 = tpu.memref_slice %arg3[%run_scoped3A_51, %mul3A_49] : memref<2x320000xi32, #tpu.memory_space<hbm>> -> memref<1x64xi32, #tpu.memory_space<hbm>>
        %dma_start3A_81 = tpu.memref_squeeze %dma_start3A_80 : memref<1x64xi32, #tpu.memory_space<hbm>> -> memref<64xi32, #tpu.memory_space<hbm>>
        tpu.enqueue_dma source(%dma_start3A_81 : memref<64xi32, #tpu.memory_space<hbm>>) target(%dma_start3A_79 : memref<64xi32, #tpu.memory_space<vmem>>) target_semaphore(%run_scoped3A_73 : memref<!tpu.dma_semaphore, #tpu.memory_space<semaphore_mem>>)
        %dma_wait3A_82 = arith.constant 0 : i32
        %dma_wait3A_83 = tpu.memref_slice %arg7[%dma_wait3A_82] : memref<9984xi32, #tpu.memory_space<vmem>> -> memref<64xi32, #tpu.memory_space<vmem>>
        %dma_wait3A_84 = tpu.memref_slice %arg3[%run_scoped3A_51, %mul3A_49] : memref<2x320000xi32, #tpu.memory_space<hbm>> -> memref<1x64xi32, #tpu.memory_space<hbm>>
        %dma_wait3A_85 = tpu.memref_squeeze %dma_wait3A_84 : memref<1x64xi32, #tpu.memory_space<hbm>> -> memref<64xi32, #tpu.memory_space<hbm>>
        %dma_wait3A_86 = arith.constant 0 : i32
        %dma_wait3A_87 = tpu.memref_slice %arg7[%dma_wait3A_86] : memref<9984xi32, #tpu.memory_space<vmem>> -> memref<64xi32, #tpu.memory_space<vmem>>
        %dma_wait3A_88 = tpu.memref_slice %arg3[%run_scoped3A_51, %mul3A_49] : memref<2x320000xi32, #tpu.memory_space<hbm>> -> memref<1x64xi32, #tpu.memory_space<hbm>>
        %dma_wait3A_89 = tpu.memref_squeeze %dma_wait3A_88 : memref<1x64xi32, #tpu.memory_space<hbm>> -> memref<64xi32, #tpu.memory_space<hbm>>
        tpu.wait_dma2 semaphore(%run_scoped3A_73 : memref<!tpu.dma_semaphore, #tpu.memory_space<semaphore_mem>>) src(%dma_wait3A_89 : memref<64xi32, #tpu.memory_space<hbm>>) dst(%dma_wait3A_87 : memref<64xi32, #tpu.memory_space<vmem>>)
        tpu.yield
      }) : () -> ()
      %dma_start3A_52 = arith.constant 0 : i32
      %dma_start3A_53 = arith.constant 0 : i32
      %dma_start3A_54 = arith.constant 0 : i32
      %dma_start3A_55 = tpu.memref_slice %arg8[%dma_start3A_52, %dma_start3A_53, %dma_start3A_54] : memref<3x64x128xf32, #tpu.memory_space<vmem>> -> memref<1x64x128xf32, #tpu.memory_space<vmem>>
      %dma_start3A_56 = tpu.memref_squeeze %dma_start3A_55 : memref<1x64x128xf32, #tpu.memory_space<vmem>> -> memref<64x128xf32, #tpu.memory_space<vmem>>
      %dma_start3A_57 = arith.constant 0 : i32
      %dma_start3A_58 = tpu.memref_slice %arg6[%dma_start3A_57] : memref<9984xi32, #tpu.memory_space<vmem>> -> memref<64xi32, #tpu.memory_space<vmem>>
      %dma_start3A_59 = arith.constant 0 : i32
      %dma_start3A_60 = arith.constant 0 : i32
      %dma_start3A_61 = tpu.memref_slice %arg2[%dma_start3A_59, %dma_start3A_60] : memref<10000x128xf32, #tpu.memory_space<hbm>> -> memref<10000x128xf32, #tpu.memory_space<hbm>>
      tpu.enqueue_indirect_dma source(%dma_start3A_61 : memref<10000x128xf32, #tpu.memory_space<hbm>>) target(%dma_start3A_56 : memref<64x128xf32, #tpu.memory_space<vmem>>) offsets(%dma_start3A_58 : memref<64xi32, #tpu.memory_space<vmem>>) semaphore(%arg9 : memref<!tpu.dma_semaphore, #tpu.memory_space<semaphore_mem>>)
      %dma_wait3A_62 = arith.constant 0 : i32
      %dma_wait3A_63 = arith.constant 0 : i32
      %dma_wait3A_64 = arith.constant 0 : i32
      %dma_wait3A_65 = tpu.memref_slice %arg8[%dma_wait3A_62, %dma_wait3A_63, %dma_wait3A_64] : memref<3x64x128xf32, #tpu.memory_space<vmem>> -> memref<1x64x128xf32, #tpu.memory_space<vmem>>
      %dma_wait3A_66 = tpu.memref_squeeze %dma_wait3A_65 : memref<1x64x128xf32, #tpu.memory_space<vmem>> -> memref<64x128xf32, #tpu.memory_space<vmem>>
      %dma_wait3A_67 = arith.constant 0 : i32
      %dma_wait3A_68 = tpu.memref_slice %arg6[%dma_wait3A_67] : memref<9984xi32, #tpu.memory_space<vmem>> -> memref<64xi32, #tpu.memory_space<vmem>>
      %dma_wait3A_69 = arith.constant 0 : i32
      %dma_wait3A_70 = arith.constant 0 : i32
      %dma_wait3A_71 = tpu.memref_slice %arg2[%dma_wait3A_69, %dma_wait3A_70] : memref<10000x128xf32, #tpu.memory_space<hbm>> -> memref<10000x128xf32, #tpu.memory_space<hbm>>
      tpu.wait_indirect_dma semaphore(%arg9 : memref<!tpu.dma_semaphore, #tpu.memory_space<semaphore_mem>>) src(%dma_wait3A_71 : memref<10000x128xf32, #tpu.memory_space<hbm>>) dst(%dma_wait3A_66 : memref<64x128xf32, #tpu.memory_space<vmem>>)
      %run_scoped3A_72 = arith.constant 0 : i32
      "tpu.region"() ({
        %run_scoped3A_73 = tpu.sem_alloc : memref<!tpu.dma_semaphore, #tpu.memory_space<semaphore_mem>>
        %dma_start3A_74 = arith.constant 0 : i32
        %dma_start3A_75 = arith.constant 0 : i32
        %dma_start3A_76 = tpu.memref_slice %arg8[%run_scoped3A_72, %dma_start3A_74, %dma_start3A_75] : memref<3x64x128xf32, #tpu.memory_space<vmem>> -> memref<1x64x128xf32, #tpu.memory_space<vmem>>
        %dma_start3A_77 = tpu.memref_squeeze %dma_start3A_76 : memref<1x64x128xf32, #tpu.memory_space<vmem>> -> memref<64x128xf32, #tpu.memory_space<vmem>>
        %dma_start3A_78 = arith.constant 0 : i32
        %dma_start3A_79 = tpu.memref_slice %arg7[%dma_start3A_78] : memref<9984xi32, #tpu.memory_space<vmem>> -> memref<64xi32, #tpu.memory_space<vmem>>
        %dma_start3A_80 = arith.constant 0 : i32
        %dma_start3A_81 = arith.constant 0 : i32
        %dma_start3A_82 = tpu.memref_slice %arg15[%dma_start3A_80, %dma_start3A_81] : memref<10112x128xf32, #tpu.memory_space<vmem_shared>> -> memref<10112x128xf32, #tpu.memory_space<vmem_shared>>
        tpu.enqueue_indirect_dma source(%dma_start3A_77 : memref<64x128xf32, #tpu.memory_space<vmem>>) target(%dma_start3A_82 : memref<10112x128xf32, #tpu.memory_space<vmem_shared>>) offsets(%dma_start3A_79 : memref<64xi32, #tpu.memory_space<vmem>>) semaphore(%run_scoped3A_73 : memref<!tpu.dma_semaphore, #tpu.memory_space<semaphore_mem>>) {add = true}
        %dma_wait3A_83 = arith.constant 0 : i32
        %dma_wait3A_84 = arith.constant 0 : i32
        %dma_wait3A_85 = tpu.memref_slice %arg8[%run_scoped3A_72, %dma_wait3A_83, %dma_wait3A_84] : memref<3x64x128xf32, #tpu.memory_space<vmem>> -> memref<1x64x128xf32, #tpu.memory_space<vmem>>
        %dma_wait3A_86 = tpu.memref_squeeze %dma_wait3A_85 : memref<1x64x128xf32, #tpu.memory_space<vmem>> -> memref<64x128xf32, #tpu.memory_space<vmem>>
        %dma_wait3A_87 = arith.constant 0 : i32
        %dma_wait3A_88 = tpu.memref_slice %arg7[%dma_wait3A_87] : memref<9984xi32, #tpu.memory_space<vmem>> -> memref<64xi32, #tpu.memory_space<vmem>>
        %dma_wait3A_89 = arith.constant 0 : i32
        %dma_wait3A_90 = arith.constant 0 : i32
        %dma_wait3A_91 = tpu.memref_slice %arg15[%dma_wait3A_89, %dma_wait3A_90] : memref<10112x128xf32, #tpu.memory_space<vmem_shared>> -> memref<10112x128xf32, #tpu.memory_space<vmem_shared>>
        tpu.wait_indirect_dma semaphore(%run_scoped3A_73 : memref<!tpu.dma_semaphore, #tpu.memory_space<semaphore_mem>>) src(%dma_wait3A_86 : memref<64x128xf32, #tpu.memory_space<vmem>>) dst(%dma_wait3A_91 : memref<10112x128xf32, #tpu.memory_space<vmem_shared>>)
        tpu.yield
      }) : () -> ()
    } else {
    }
    %barrier3A_41 = arith.constant 0 : index
    tpu.barrier barrier_id(%barrier3A_41)
    %mul3A_42 = arith.constant 632 : i32
    %mul3A_43 = arith.muli %arg1, %mul3A_42 : i32
    %mul3A_44 = arith.constant 632 : i32
    %mul3A_45 = arith.muli %arg1, %mul3A_44 : i32
    "tpu.region"() ({
      %run_scoped3A_46 = tpu.sem_alloc : memref<!tpu.dma_semaphore, #tpu.memory_space<semaphore_mem>>
      %dma_start3A_47 = arith.constant 0 : i32
      %dma_start3A_48 = tpu.memref_slice %arg5[%arg0, %mul3A_45, %dma_start3A_47] : memref<2x10112x128xf32, #tpu.memory_space<hbm>> -> memref<1x632x128xf32, #tpu.memory_space<hbm>>
      %dma_start3A_49 = tpu.memref_squeeze %dma_start3A_48 : memref<1x632x128xf32, #tpu.memory_space<hbm>> -> memref<632x128xf32, #tpu.memory_space<hbm>>
      %dma_start3A_50 = arith.constant 0 : i32
      %dma_start3A_51 = tpu.memref_slice %arg15[%mul3A_43, %dma_start3A_50] : memref<10112x128xf32, #tpu.memory_space<vmem_shared>> -> memref<632x128xf32, #tpu.memory_space<vmem_shared>>
      tpu.enqueue_dma source(%dma_start3A_51 : memref<632x128xf32, #tpu.memory_space<vmem_shared>>) target(%dma_start3A_49 : memref<632x128xf32, #tpu.memory_space<hbm>>) target_semaphore(%run_scoped3A_46 : memref<!tpu.dma_semaphore, #tpu.memory_space<semaphore_mem>>)
      %dma_wait3A_52 = arith.constant 0 : i32
      %dma_wait3A_53 = tpu.memref_slice %arg5[%arg0, %mul3A_45, %dma_wait3A_52] : memref<2x10112x128xf32, #tpu.memory_space<hbm>> -> memref<1x632x128xf32, #tpu.memory_space<hbm>>
      %dma_wait3A_54 = tpu.memref_squeeze %dma_wait3A_53 : memref<1x632x128xf32, #tpu.memory_space<hbm>> -> memref<632x128xf32, #tpu.memory_space<hbm>>
      %dma_wait3A_55 = arith.constant 0 : i32
      %dma_wait3A_56 = tpu.memref_slice %arg15[%mul3A_43, %dma_wait3A_55] : memref<10112x128xf32, #tpu.memory_space<vmem_shared>> -> memref<632x128xf32, #tpu.memory_space<vmem_shared>>
      tpu.wait_dma2 semaphore(%run_scoped3A_46 : memref<!tpu.dma_semaphore, #tpu.memory_space<semaphore_mem>>) src(%dma_wait3A_56 : memref<632x128xf32, #tpu.memory_space<vmem_shared>>) dst(%dma_wait3A_54 : memref<632x128xf32, #tpu.memory_space<hbm>>)
      tpu.yield
    }) : () -> ()
    return
  }
}

#map = affine_map<(d0, d1) -> (0, 0)>
#map1 = affine_map<(d0, d1) -> (0)>
module attributes {stable_mosaic.version = 14 : i64} {
  func.func @_deg_kernel(%arg0: i32, %arg1: i32, %arg2: memref<2x320000xi32, #tpu.memory_space<hbm>>, %arg3: memref<640xf32, #tpu.memory_space<hbm>>, %arg4: memref<20480xf32, #tpu.memory_space<hbm>>, %arg5: memref<9984xi32, #tpu.memory_space<vmem>>, %arg6: memref<64xf32, #tpu.memory_space<vmem>>, %arg7: memref<!tpu.dma_semaphore, #tpu.memory_space<semaphore_mem>>, %arg8: memref<10240xf32, #tpu.memory_space<vmem_shared>>) attributes {dimension_semantics = [#tpu.dimension_semantics<core_parallel>, #tpu.dimension_semantics<subcore_parallel>], iteration_bounds = array<i64: 2, 16>, scalar_prefetch = 0 : i64, scratch_operands = 4 : i64, tpu.core_type = #tpu.core_type<sc_vector_subcore>, window_params = [{transform_indices = #map}, {transform_indices = #map1}, {transform_indices = #map1}]} {
    %mul3A = arith.constant 2 : i32
    %mul3A_0 = arith.muli %arg1, %mul3A : i32
    %add3A = arith.addi %mul3A_0, %arg0 : i32
    %mul3A_1 = arith.constant 9984 : i32
    %mul3A_2 = arith.muli %add3A, %mul3A_1 : i32
    %scan3A = arith.constant 0 : i32
    %scan3A_3 = arith.constant 0 : i32
    %scan3A_4 = arith.constant 4 : i32
    %scan3A_5 = arith.addi %scan3A_3, %scan3A_4 : i32
    %scan3A_6 = arith.constant 1 : i32
    scf.for %scan3A_26 = %scan3A_3 to %scan3A_5 step %scan3A_6  : i32 {
      %broadcast_in_dim3A = arith.constant 1.000000e+00 : f32
      %broadcast_in_dim3A_27 = vector.broadcast %broadcast_in_dim3A : f32 to vector<16xf32>
      %mul3A_28 = arith.constant 16 : i32
      %mul3A_29 = arith.muli %scan3A_26, %mul3A_28 : i32
      %swap3A = arith.index_cast %mul3A_29 : i32 to index
      %swap3A_30 = tpu.vector_load %arg6[%swap3A] {strides = array<i32>} : memref<64xf32, #tpu.memory_space<vmem>>, vector<16xf32>,
      %swap3A_31 = vector.shape_cast %swap3A_30 : vector<16xf32> to vector<16xf32>
      %swap3A_32 = vector.shape_cast %broadcast_in_dim3A_27 : vector<16xf32> to vector<16xf32>
      tpu.vector_store %arg6[%swap3A], %swap3A_32 {strides = array<i32>} : memref<64xf32, #tpu.memory_space<vmem>>, vector<16xf32>,
    }
    %scan3A_7 = arith.constant 4 : i32
    %run_scoped3A = arith.constant 1 : i32
    "tpu.region"() ({
      %run_scoped3A_26 = tpu.sem_alloc : memref<!tpu.dma_semaphore, #tpu.memory_space<semaphore_mem>>
      %dma_start3A = tpu.memref_slice %arg2[%run_scoped3A, %mul3A_2] : memref<2x320000xi32, #tpu.memory_space<hbm>> -> memref<1x9984xi32, #tpu.memory_space<hbm>>
      %dma_start3A_27 = tpu.memref_squeeze %dma_start3A : memref<1x9984xi32, #tpu.memory_space<hbm>> -> memref<9984xi32, #tpu.memory_space<hbm>>
      %dma_start3A_28 = tpu.memref_slice %arg2[%run_scoped3A, %mul3A_2] : memref<2x320000xi32, #tpu.memory_space<hbm>> -> memref<1x9984xi32, #tpu.memory_space<hbm>>
      %dma_start3A_29 = tpu.memref_squeeze %dma_start3A_28 : memref<1x9984xi32, #tpu.memory_space<hbm>> -> memref<9984xi32, #tpu.memory_space<hbm>>
      tpu.enqueue_dma source(%dma_start3A_29 : memref<9984xi32, #tpu.memory_space<hbm>>) target(%arg5 : memref<9984xi32, #tpu.memory_space<vmem>>) target_semaphore(%run_scoped3A_26 : memref<!tpu.dma_semaphore, #tpu.memory_space<semaphore_mem>>)
      %dma_wait3A = tpu.memref_slice %arg2[%run_scoped3A, %mul3A_2] : memref<2x320000xi32, #tpu.memory_space<hbm>> -> memref<1x9984xi32, #tpu.memory_space<hbm>>
      %dma_wait3A_30 = tpu.memref_squeeze %dma_wait3A : memref<1x9984xi32, #tpu.memory_space<hbm>> -> memref<9984xi32, #tpu.memory_space<hbm>>
      %dma_wait3A_31 = tpu.memref_slice %arg2[%run_scoped3A, %mul3A_2] : memref<2x320000xi32, #tpu.memory_space<hbm>> -> memref<1x9984xi32, #tpu.memory_space<hbm>>
      %dma_wait3A_32 = tpu.memref_squeeze %dma_wait3A_31 : memref<1x9984xi32, #tpu.memory_space<hbm>> -> memref<9984xi32, #tpu.memory_space<hbm>>
      tpu.wait_dma2 semaphore(%run_scoped3A_26 : memref<!tpu.dma_semaphore, #tpu.memory_space<semaphore_mem>>) src(%dma_wait3A_32 : memref<9984xi32, #tpu.memory_space<hbm>>) dst(%arg5 : memref<9984xi32, #tpu.memory_space<vmem>>)
      tpu.yield
    }) : () -> ()
    %mul3A_8 = arith.constant 640 : i32
    %mul3A_9 = arith.muli %arg1, %mul3A_8 : i32
    "tpu.region"() ({
      %run_scoped3A_26 = tpu.sem_alloc : memref<!tpu.dma_semaphore, #tpu.memory_space<semaphore_mem>>
      %dma_start3A = tpu.memref_slice %arg8[%mul3A_9] : memref<10240xf32, #tpu.memory_space<vmem_shared>> -> memref<640xf32, #tpu.memory_space<vmem_shared>>
      tpu.enqueue_dma source(%arg3 : memref<640xf32, #tpu.memory_space<hbm>>) target(%dma_start3A : memref<640xf32, #tpu.memory_space<vmem_shared>>) target_semaphore(%run_scoped3A_26 : memref<!tpu.dma_semaphore, #tpu.memory_space<semaphore_mem>>)
      %dma_wait3A = tpu.memref_slice %arg8[%mul3A_9] : memref<10240xf32, #tpu.memory_space<vmem_shared>> -> memref<640xf32, #tpu.memory_space<vmem_shared>>
      tpu.wait_dma2 semaphore(%run_scoped3A_26 : memref<!tpu.dma_semaphore, #tpu.memory_space<semaphore_mem>>) src(%arg3 : memref<640xf32, #tpu.memory_space<hbm>>) dst(%dma_wait3A : memref<640xf32, #tpu.memory_space<vmem_shared>>)
      tpu.yield
    }) : () -> ()
    %barrier3A = arith.constant 0 : index
    tpu.barrier barrier_id(%barrier3A)
    %scan3A_10 = arith.constant 0 : i32
    %scan3A_11 = arith.constant 0 : i32
    %scan3A_12 = arith.constant 52 : i32
    %scan3A_13 = arith.addi %scan3A_11, %scan3A_12 : i32
    %scan3A_14 = arith.constant 1 : i32
    scf.for %scan3A_26 = %scan3A_11 to %scan3A_13 step %scan3A_14  : i32 {
      %mul3A_27 = arith.constant 3 : i32
      %mul3A_28 = arith.muli %mul3A_27, %scan3A_26 : i32
      %add3A_29 = arith.constant 0 : i32
      %add3A_30 = arith.addi %mul3A_28, %add3A_29 : i32
      %mul3A_31 = arith.constant 64 : i32
      %mul3A_32 = arith.muli %add3A_30, %mul3A_31 : i32
      %dma_start3A = tpu.memref_slice %arg5[%mul3A_32] : memref<9984xi32, #tpu.memory_space<vmem>> -> memref<64xi32, #tpu.memory_space<vmem>>
      %dma_start3A_33 = arith.constant 0 : i32
      %dma_start3A_34 = tpu.memref_slice %arg8[%dma_start3A_33] : memref<10240xf32, #tpu.memory_space<vmem_shared>> -> memref<10240xf32, #tpu.memory_space<vmem_shared>>
      tpu.enqueue_indirect_dma source(%arg6 : memref<64xf32, #tpu.memory_space<vmem>>) target(%dma_start3A_34 : memref<10240xf32, #tpu.memory_space<vmem_shared>>) offsets(%dma_start3A : memref<64xi32, #tpu.memory_space<vmem>>) semaphore(%arg7 : memref<!tpu.dma_semaphore, #tpu.memory_space<semaphore_mem>>) {add = true}
      %mul3A_35 = arith.constant 3 : i32
      %mul3A_36 = arith.muli %mul3A_35, %scan3A_26 : i32
      %add3A_37 = arith.constant 1 : i32
      %add3A_38 = arith.addi %mul3A_36, %add3A_37 : i32
      %mul3A_39 = arith.constant 64 : i32
      %mul3A_40 = arith.muli %add3A_38, %mul3A_39 : i32
      %dma_start3A_41 = tpu.memref_slice %arg5[%mul3A_40] : memref<9984xi32, #tpu.memory_space<vmem>> -> memref<64xi32, #tpu.memory_space<vmem>>
      %dma_start3A_42 = arith.constant 0 : i32
      %dma_start3A_43 = tpu.memref_slice %arg8[%dma_start3A_42] : memref<10240xf32, #tpu.memory_space<vmem_shared>> -> memref<10240xf32, #tpu.memory_space<vmem_shared>>
      tpu.enqueue_indirect_dma source(%arg6 : memref<64xf32, #tpu.memory_space<vmem>>) target(%dma_start3A_43 : memref<10240xf32, #tpu.memory_space<vmem_shared>>) offsets(%dma_start3A_41 : memref<64xi32, #tpu.memory_space<vmem>>) semaphore(%arg7 : memref<!tpu.dma_semaphore, #tpu.memory_space<semaphore_mem>>) {add = true}
      %mul3A_44 = arith.constant 3 : i32
      %mul3A_45 = arith.muli %mul3A_44, %scan3A_26 : i32
      %add3A_46 = arith.constant 2 : i32
      %add3A_47 = arith.addi %mul3A_45, %add3A_46 : i32
      %mul3A_48 = arith.constant 64 : i32
      %mul3A_49 = arith.muli %add3A_47, %mul3A_48 : i32
      %dma_start3A_50 = tpu.memref_slice %arg5[%mul3A_49] : memref<9984xi32, #tpu.memory_space<vmem>> -> memref<64xi32, #tpu.memory_space<vmem>>
      %dma_start3A_51 = arith.constant 0 : i32
      %dma_start3A_52 = tpu.memref_slice %arg8[%dma_start3A_51] : memref<10240xf32, #tpu.memory_space<vmem_shared>> -> memref<10240xf32, #tpu.memory_space<vmem_shared>>
      tpu.enqueue_indirect_dma source(%arg6 : memref<64xf32, #tpu.memory_space<vmem>>) target(%dma_start3A_52 : memref<10240xf32, #tpu.memory_space<vmem_shared>>) offsets(%dma_start3A_50 : memref<64xi32, #tpu.memory_space<vmem>>) semaphore(%arg7 : memref<!tpu.dma_semaphore, #tpu.memory_space<semaphore_mem>>) {add = true}
      %dma_wait3A = tpu.memref_slice %arg5[%mul3A_32] : memref<9984xi32, #tpu.memory_space<vmem>> -> memref<64xi32, #tpu.memory_space<vmem>>
      %dma_wait3A_53 = arith.constant 0 : i32
      %dma_wait3A_54 = tpu.memref_slice %arg8[%dma_wait3A_53] : memref<10240xf32, #tpu.memory_space<vmem_shared>> -> memref<10240xf32, #tpu.memory_space<vmem_shared>>
      tpu.wait_indirect_dma semaphore(%arg7 : memref<!tpu.dma_semaphore, #tpu.memory_space<semaphore_mem>>) src(%arg6 : memref<64xf32, #tpu.memory_space<vmem>>) dst(%dma_wait3A_54 : memref<10240xf32, #tpu.memory_space<vmem_shared>>)
      %dma_wait3A_55 = tpu.memref_slice %arg5[%mul3A_40] : memref<9984xi32, #tpu.memory_space<vmem>> -> memref<64xi32, #tpu.memory_space<vmem>>
      %dma_wait3A_56 = arith.constant 0 : i32
      %dma_wait3A_57 = tpu.memref_slice %arg8[%dma_wait3A_56] : memref<10240xf32, #tpu.memory_space<vmem_shared>> -> memref<10240xf32, #tpu.memory_space<vmem_shared>>
      tpu.wait_indirect_dma semaphore(%arg7 : memref<!tpu.dma_semaphore, #tpu.memory_space<semaphore_mem>>) src(%arg6 : memref<64xf32, #tpu.memory_space<vmem>>) dst(%dma_wait3A_57 : memref<10240xf32, #tpu.memory_space<vmem_shared>>)
      %dma_wait3A_58 = tpu.memref_slice %arg5[%mul3A_49] : memref<9984xi32, #tpu.memory_space<vmem>> -> memref<64xi32, #tpu.memory_space<vmem>>
      %dma_wait3A_59 = arith.constant 0 : i32
      %dma_wait3A_60 = tpu.memref_slice %arg8[%dma_wait3A_59] : memref<10240xf32, #tpu.memory_space<vmem_shared>> -> memref<10240xf32, #tpu.memory_space<vmem_shared>>
      tpu.wait_indirect_dma semaphore(%arg7 : memref<!tpu.dma_semaphore, #tpu.memory_space<semaphore_mem>>) src(%arg6 : memref<64xf32, #tpu.memory_space<vmem>>) dst(%dma_wait3A_60 : memref<10240xf32, #tpu.memory_space<vmem_shared>>)
    }
    %scan3A_15 = arith.constant 52 : i32
    %lt3A = arith.constant 8 : i32
    %lt3A_16 = arith.cmpi slt, %add3A, %lt3A : i32
    %convert_element_type3A = arith.extui %lt3A_16 : i1 to i32
    %cond3A = arith.constant 0 : i32
    %cond3A_17 = arith.cmpi ne, %convert_element_type3A, %cond3A : i32
    scf.if %cond3A_17 {
      %add3A_26 = arith.constant 4992 : i32
      %add3A_27 = arith.addi %add3A_26, %add3A : i32
      %mul3A_28 = arith.constant 64 : i32
      %mul3A_29 = arith.muli %add3A_27, %mul3A_28 : i32
      %run_scoped3A_30 = arith.constant 1 : i32
      "tpu.region"() ({
        %run_scoped3A_31 = tpu.sem_alloc : memref<!tpu.dma_semaphore, #tpu.memory_space<semaphore_mem>>
        %dma_start3A = arith.constant 0 : i32
        %dma_start3A_32 = tpu.memref_slice %arg5[%dma_start3A] : memref<9984xi32, #tpu.memory_space<vmem>> -> memref<64xi32, #tpu.memory_space<vmem>>
        %dma_start3A_33 = tpu.memref_slice %arg2[%run_scoped3A_30, %mul3A_29] : memref<2x320000xi32, #tpu.memory_space<hbm>> -> memref<1x64xi32, #tpu.memory_space<hbm>>
        %dma_start3A_34 = tpu.memref_squeeze %dma_start3A_33 : memref<1x64xi32, #tpu.memory_space<hbm>> -> memref<64xi32, #tpu.memory_space<hbm>>
        %dma_start3A_35 = arith.constant 0 : i32
        %dma_start3A_36 = tpu.memref_slice %arg5[%dma_start3A_35] : memref<9984xi32, #tpu.memory_space<vmem>> -> memref<64xi32, #tpu.memory_space<vmem>>
        %dma_start3A_37 = tpu.memref_slice %arg2[%run_scoped3A_30, %mul3A_29] : memref<2x320000xi32, #tpu.memory_space<hbm>> -> memref<1x64xi32, #tpu.memory_space<hbm>>
        %dma_start3A_38 = tpu.memref_squeeze %dma_start3A_37 : memref<1x64xi32, #tpu.memory_space<hbm>> -> memref<64xi32, #tpu.memory_space<hbm>>
        tpu.enqueue_dma source(%dma_start3A_38 : memref<64xi32, #tpu.memory_space<hbm>>) target(%dma_start3A_36 : memref<64xi32, #tpu.memory_space<vmem>>) target_semaphore(%run_scoped3A_31 : memref<!tpu.dma_semaphore, #tpu.memory_space<semaphore_mem>>)
        %dma_wait3A = arith.constant 0 : i32
        %dma_wait3A_39 = tpu.memref_slice %arg5[%dma_wait3A] : memref<9984xi32, #tpu.memory_space<vmem>> -> memref<64xi32, #tpu.memory_space<vmem>>
        %dma_wait3A_40 = tpu.memref_slice %arg2[%run_scoped3A_30, %mul3A_29] : memref<2x320000xi32, #tpu.memory_space<hbm>> -> memref<1x64xi32, #tpu.memory_space<hbm>>
        %dma_wait3A_41 = tpu.memref_squeeze %dma_wait3A_40 : memref<1x64xi32, #tpu.memory_space<hbm>> -> memref<64xi32, #tpu.memory_space<hbm>>
        %dma_wait3A_42 = arith.constant 0 : i32
        %dma_wait3A_43 = tpu.memref_slice %arg5[%dma_wait3A_42] : memref<9984xi32, #tpu.memory_space<vmem>> -> memref<64xi32, #tpu.memory_space<vmem>>
        %dma_wait3A_44 = tpu.memref_slice %arg2[%run_scoped3A_30, %mul3A_29] : memref<2x320000xi32, #tpu.memory_space<hbm>> -> memref<1x64xi32, #tpu.memory_space<hbm>>
        %dma_wait3A_45 = tpu.memref_squeeze %dma_wait3A_44 : memref<1x64xi32, #tpu.memory_space<hbm>> -> memref<64xi32, #tpu.memory_space<hbm>>
        tpu.wait_dma2 semaphore(%run_scoped3A_31 : memref<!tpu.dma_semaphore, #tpu.memory_space<semaphore_mem>>) src(%dma_wait3A_45 : memref<64xi32, #tpu.memory_space<hbm>>) dst(%dma_wait3A_43 : memref<64xi32, #tpu.memory_space<vmem>>)
        tpu.yield
      }) : () -> ()
      "tpu.region"() ({
        %run_scoped3A_31 = tpu.sem_alloc : memref<!tpu.dma_semaphore, #tpu.memory_space<semaphore_mem>>
        %dma_start3A = arith.constant 0 : i32
        %dma_start3A_32 = tpu.memref_slice %arg5[%dma_start3A] : memref<9984xi32, #tpu.memory_space<vmem>> -> memref<64xi32, #tpu.memory_space<vmem>>
        %dma_start3A_33 = arith.constant 0 : i32
        %dma_start3A_34 = tpu.memref_slice %arg8[%dma_start3A_33] : memref<10240xf32, #tpu.memory_space<vmem_shared>> -> memref<10240xf32, #tpu.memory_space<vmem_shared>>
        tpu.enqueue_indirect_dma source(%arg6 : memref<64xf32, #tpu.memory_space<vmem>>) target(%dma_start3A_34 : memref<10240xf32, #tpu.memory_space<vmem_shared>>) offsets(%dma_start3A_32 : memref<64xi32, #tpu.memory_space<vmem>>) semaphore(%run_scoped3A_31 : memref<!tpu.dma_semaphore, #tpu.memory_space<semaphore_mem>>) {add = true}
        %dma_wait3A = arith.constant 0 : i32
        %dma_wait3A_35 = tpu.memref_slice %arg5[%dma_wait3A] : memref<9984xi32, #tpu.memory_space<vmem>> -> memref<64xi32, #tpu.memory_space<vmem>>
        %dma_wait3A_36 = arith.constant 0 : i32
        %dma_wait3A_37 = tpu.memref_slice %arg8[%dma_wait3A_36] : memref<10240xf32, #tpu.memory_space<vmem_shared>> -> memref<10240xf32, #tpu.memory_space<vmem_shared>>
        tpu.wait_indirect_dma semaphore(%run_scoped3A_31 : memref<!tpu.dma_semaphore, #tpu.memory_space<semaphore_mem>>) src(%arg6 : memref<64xf32, #tpu.memory_space<vmem>>) dst(%dma_wait3A_37 : memref<10240xf32, #tpu.memory_space<vmem_shared>>)
        tpu.yield
      }) : () -> ()
    } else {
    }
    %barrier3A_18 = arith.constant 0 : index
    tpu.barrier barrier_id(%barrier3A_18)
    %mul3A_19 = arith.constant 640 : i32
    %mul3A_20 = arith.muli %arg1, %mul3A_19 : i32
    %mul3A_21 = arith.constant 10240 : i32
    %mul3A_22 = arith.muli %arg0, %mul3A_21 : i32
    %mul3A_23 = arith.constant 640 : i32
    %mul3A_24 = arith.muli %arg1, %mul3A_23 : i32
    %add3A_25 = arith.addi %mul3A_22, %mul3A_24 : i32
    "tpu.region"() ({
      %run_scoped3A_26 = tpu.sem_alloc : memref<!tpu.dma_semaphore, #tpu.memory_space<semaphore_mem>>
      %dma_start3A = tpu.memref_slice %arg4[%add3A_25] : memref<20480xf32, #tpu.memory_space<hbm>> -> memref<640xf32, #tpu.memory_space<hbm>>
      %dma_start3A_27 = tpu.memref_slice %arg8[%mul3A_20] : memref<10240xf32, #tpu.memory_space<vmem_shared>> -> memref<640xf32, #tpu.memory_space<vmem_shared>>
      tpu.enqueue_dma source(%dma_start3A_27 : memref<640xf32, #tpu.memory_space<vmem_shared>>) target(%dma_start3A : memref<640xf32, #tpu.memory_space<hbm>>) target_semaphore(%run_scoped3A_26 : memref<!tpu.dma_semaphore, #tpu.memory_space<semaphore_mem>>)
      %dma_wait3A = tpu.memref_slice %arg4[%add3A_25] : memref<20480xf32, #tpu.memory_space<hbm>> -> memref<640xf32, #tpu.memory_space<hbm>>
      %dma_wait3A_28 = tpu.memref_slice %arg8[%mul3A_20] : memref<10240xf32, #tpu.memory_space<vmem_shared>> -> memref<640xf32, #tpu.memory_space<vmem_shared>>
      tpu.wait_dma2 semaphore(%run_scoped3A_26 : memref<!tpu.dma_semaphore, #tpu.memory_space<semaphore_mem>>) src(%dma_wait3A_28 : memref<640xf32, #tpu.memory_space<vmem_shared>>) dst(%dma_wait3A : memref<640xf32, #tpu.memory_space<hbm>>)
      tpu.yield
    }) : () -> ()
    return
  }
}

module attributes {stable_mosaic.version = 14 : i64} {
  func.func @_scale_body(%arg0: memref<10000x1xf32, #tpu.memory_space<vmem>>, %arg1: memref<10000x128xf32, #tpu.memory_space<vmem>>, %arg2: memref<10000x128xf32, #tpu.memory_space<vmem>>, %arg3: memref<10000x1xf32, #tpu.memory_space<vmem>>) attributes {dimension_semantics = [], scalar_prefetch = 0 : i64, scratch_operands = 0 : i64, tpu.core_type = #tpu.core_type<tc>} {
    %get3A = arith.constant 0 : index
    %get3A_0 = arith.constant 0 : index
    %get3A_1 = vector.load %arg0[%get3A, %get3A_0] : memref<10000x1xf32, #tpu.memory_space<vmem>>, vector<10000x1xf32>
    %rsqrt3A = math.rsqrt %get3A_1 : vector<10000x1xf32>
    %swap3A = arith.constant 0 : index
    %swap3A_2 = arith.constant 0 : index
    %swap3A_3 = vector.load %arg3[%swap3A, %swap3A_2] : memref<10000x1xf32, #tpu.memory_space<vmem>>, vector<10000x1xf32>
    tpu.vector_store %arg3[%swap3A, %swap3A_2], %rsqrt3A {strides = array<i32>} : memref<10000x1xf32, #tpu.memory_space<vmem>>, vector<10000x1xf32>,
    %get3A_4 = arith.constant 0 : index
    %get3A_5 = arith.constant 0 : index
    %get3A_6 = vector.load %arg1[%get3A_4, %get3A_5] : memref<10000x128xf32, #tpu.memory_space<vmem>>, vector<10000x128xf32>
    %mul3A = vector.broadcast %rsqrt3A : vector<10000x1xf32> to vector<10000x128xf32>
    %mul3A_7 = arith.mulf %get3A_6, %mul3A : vector<10000x128xf32>
    %swap3A_8 = arith.constant 0 : index
    %swap3A_9 = arith.constant 0 : index
    %swap3A_10 = vector.load %arg2[%swap3A_8, %swap3A_9] : memref<10000x128xf32, #tpu.memory_space<vmem>>, vector<10000x128xf32>
    tpu.vector_store %arg2[%swap3A_8, %swap3A_9], %mul3A_7 {strides = array<i32>} : memref<10000x128xf32, #tpu.memory_space<vmem>>, vector<10000x128xf32>,
    return
  }
}

module attributes {stable_mosaic.version = 14 : i64} {
  func.func @_dense_body(%arg0: memref<2x10112x128xf32, #tpu.memory_space<vmem>>, %arg1: memref<10000x128xf32, #tpu.memory_space<vmem>>, %arg2: memref<10000x1xf32, #tpu.memory_space<vmem>>, %arg3: memref<10000x128xf32, #tpu.memory_space<vmem>>, %arg4: memref<128x128xf32, #tpu.memory_space<vmem>>, %arg5: memref<1x128xf32, #tpu.memory_space<vmem>>, %arg6: memref<1x128xf32, #tpu.memory_space<vmem>>, %arg7: memref<1x128xf32, #tpu.memory_space<vmem>>, %arg8: memref<1x128xf32, #tpu.memory_space<vmem>>, %arg9: memref<1x128xf32, #tpu.memory_space<vmem>>, %arg10: memref<128x256xf32, #tpu.memory_space<vmem>>, %arg11: memref<1x256xf32, #tpu.memory_space<vmem>>, %arg12: memref<256x128xf32, #tpu.memory_space<vmem>>, %arg13: memref<1x128xf32, #tpu.memory_space<vmem>>, %arg14: memref<1x128xf32, #tpu.memory_space<vmem>>, %arg15: memref<1x128xf32, #tpu.memory_space<vmem>>, %arg16: memref<10000x128xf32, #tpu.memory_space<vmem>>) attributes {dimension_semantics = [], scalar_prefetch = 0 : i64, scratch_operands = 0 : i64, tpu.core_type = #tpu.core_type<tc>} {
    %get3A = arith.constant 0 : index
    %get3A_0 = arith.constant 0 : index
    %get3A_1 = arith.constant 0 : index
    %get3A_2 = vector.load %arg0[%get3A, %get3A_0, %get3A_1] : memref<2x10112x128xf32, #tpu.memory_space<vmem>>, vector<1x10112x128xf32>
    %get3A_3 = vector.shape_cast %get3A_2 : vector<1x10112x128xf32> to vector<10112x128xf32>
    %slice3A = vector.extract_strided_slice %get3A_3 {offsets = [0, 0], sizes = [10000, 128], strides = [1, 1]} : vector<10112x128xf32> to vector<10000x128xf32>
    %get3A_4 = arith.constant 1 : index
    %get3A_5 = arith.constant 0 : index
    %get3A_6 = arith.constant 0 : index
    %get3A_7 = vector.load %arg0[%get3A_4, %get3A_5, %get3A_6] : memref<2x10112x128xf32, #tpu.memory_space<vmem>>, vector<1x10112x128xf32>
    %get3A_8 = vector.shape_cast %get3A_7 : vector<1x10112x128xf32> to vector<10112x128xf32>
    %slice3A_9 = vector.extract_strided_slice %get3A_8 {offsets = [0, 0], sizes = [10000, 128], strides = [1, 1]} : vector<10112x128xf32> to vector<10000x128xf32>
    %add3A = arith.addf %slice3A, %slice3A_9 : vector<10000x128xf32>
    %get3A_10 = arith.constant 0 : index
    %get3A_11 = arith.constant 0 : index
    %get3A_12 = vector.load %arg1[%get3A_10, %get3A_11] : memref<10000x128xf32, #tpu.memory_space<vmem>>, vector<10000x128xf32>
    %add3A_13 = arith.addf %add3A, %get3A_12 : vector<10000x128xf32>
    %get3A_14 = arith.constant 0 : index
    %get3A_15 = arith.constant 0 : index
    %get3A_16 = vector.load %arg2[%get3A_14, %get3A_15] : memref<10000x1xf32, #tpu.memory_space<vmem>>, vector<10000x1xf32>
    %mul3A = vector.broadcast %get3A_16 : vector<10000x1xf32> to vector<10000x128xf32>
    %mul3A_17 = arith.mulf %add3A_13, %mul3A : vector<10000x128xf32>
    %get3A_18 = arith.constant 0 : index
    %get3A_19 = arith.constant 0 : index
    %get3A_20 = vector.load %arg4[%get3A_18, %get3A_19] : memref<128x128xf32, #tpu.memory_space<vmem>>, vector<128x128xf32>
    %dot_general3A = arith.constant dense<0.000000e+00> : vector<10000x128xf32>
    %dot_general3A_21 = tpu.matmul %mul3A_17, %get3A_20, %dot_general3A {dimension_numbers = #tpu.dot_dimension_numbers<[1], [0], [0], [1], [0, 0, 1, 1], [], []>, transpose_lhs_hint = false} : vector<10000x128xf32>, vector<128x128xf32>, vector<10000x128xf32> -> vector<10000x128xf32>
    %get3A_22 = arith.constant 0 : index
    %get3A_23 = arith.constant 0 : index
    %get3A_24 = vector.load %arg5[%get3A_22, %get3A_23] : memref<1x128xf32, #tpu.memory_space<vmem>>, vector<1x128xf32>
    %add3A_25 = vector.broadcast %get3A_24 : vector<1x128xf32> to vector<10000x128xf32>
    %add3A_26 = arith.addf %dot_general3A_21, %add3A_25 : vector<10000x128xf32>
    %get3A_27 = arith.constant 0 : index
    %get3A_28 = arith.constant 0 : index
    %get3A_29 = vector.load %arg6[%get3A_27, %get3A_28] : memref<1x128xf32, #tpu.memory_space<vmem>>, vector<1x128xf32>
    %get3A_30 = arith.constant 0 : index
    %get3A_31 = arith.constant 0 : index
    %get3A_32 = vector.load %arg7[%get3A_30, %get3A_31] : memref<1x128xf32, #tpu.memory_space<vmem>>, vector<1x128xf32>
    %reduce_sum3A = arith.constant dense<0.000000e+00> : vector<128xf32>
    %reduce_sum3A_33 = vector.multi_reduction <add>, %add3A_26, %reduce_sum3A [0] : vector<10000x128xf32> to vector<128xf32>
    %broadcast_in_dim3A = vector.shape_cast %reduce_sum3A_33 : vector<128xf32> to vector<1x128xf32>
    %div3A = arith.constant 1.000000e+04 : f32
    %div3A_34 = vector.broadcast %div3A : f32 to vector<1x128xf32>
    %div3A_35 = arith.divf %broadcast_in_dim3A, %div3A_34 : vector<1x128xf32>
    %sub3A = vector.broadcast %div3A_35 : vector<1x128xf32> to vector<10000x128xf32>
    %sub3A_36 = arith.subf %add3A_26, %sub3A : vector<10000x128xf32>
    %integer_pow3A = arith.mulf %sub3A_36, %sub3A_36 : vector<10000x128xf32>
    %reduce_sum3A_37 = arith.constant dense<0.000000e+00> : vector<128xf32>
    %reduce_sum3A_38 = vector.multi_reduction <add>, %integer_pow3A, %reduce_sum3A_37 [0] : vector<10000x128xf32> to vector<128xf32>
    %broadcast_in_dim3A_39 = vector.shape_cast %reduce_sum3A_38 : vector<128xf32> to vector<1x128xf32>
    %div3A_40 = arith.constant 1.000000e+04 : f32
    %div3A_41 = vector.broadcast %div3A_40 : f32 to vector<1x128xf32>
    %div3A_42 = arith.divf %broadcast_in_dim3A_39, %div3A_41 : vector<1x128xf32>
    %sub3A_43 = vector.broadcast %div3A_35 : vector<1x128xf32> to vector<10000x128xf32>
    %sub3A_44 = arith.subf %add3A_26, %sub3A_43 : vector<10000x128xf32>
    %add3A_45 = arith.constant 9.99999974E-6 : f32
    %add3A_46 = vector.broadcast %add3A_45 : f32 to vector<1x128xf32>
    %add3A_47 = arith.addf %div3A_42, %add3A_46 : vector<1x128xf32>
    %rsqrt3A = math.rsqrt %add3A_47 : vector<1x128xf32>
    %mul3A_48 = vector.broadcast %rsqrt3A : vector<1x128xf32> to vector<10000x128xf32>
    %mul3A_49 = arith.mulf %sub3A_44, %mul3A_48 : vector<10000x128xf32>
    %mul3A_50 = vector.broadcast %get3A_29 : vector<1x128xf32> to vector<10000x128xf32>
    %mul3A_51 = arith.mulf %mul3A_49, %mul3A_50 : vector<10000x128xf32>
    %add3A_52 = vector.broadcast %get3A_32 : vector<1x128xf32> to vector<10000x128xf32>
    %add3A_53 = arith.addf %mul3A_51, %add3A_52 : vector<10000x128xf32>
    %max3A = arith.constant 0.000000e+00 : f32
    %max3A_54 = vector.broadcast %max3A : f32 to vector<10000x128xf32>
    %max3A_55 = arith.maximumf %add3A_53, %max3A_54 : vector<10000x128xf32>
    %get3A_56 = arith.constant 0 : index
    %get3A_57 = arith.constant 0 : index
    %get3A_58 = vector.load %arg3[%get3A_56, %get3A_57] : memref<10000x128xf32, #tpu.memory_space<vmem>>, vector<10000x128xf32>
    %add3A_59 = arith.addf %max3A_55, %get3A_58 : vector<10000x128xf32>
    %get3A_60 = arith.constant 0 : index
    %get3A_61 = arith.constant 0 : index
    %get3A_62 = vector.load %arg8[%get3A_60, %get3A_61] : memref<1x128xf32, #tpu.memory_space<vmem>>, vector<1x128xf32>
    %get3A_63 = arith.constant 0 : index
    %get3A_64 = arith.constant 0 : index
    %get3A_65 = vector.load %arg9[%get3A_63, %get3A_64] : memref<1x128xf32, #tpu.memory_space<vmem>>, vector<1x128xf32>
    %reduce_sum3A_66 = arith.constant dense<0.000000e+00> : vector<128xf32>
    %reduce_sum3A_67 = vector.multi_reduction <add>, %add3A_59, %reduce_sum3A_66 [0] : vector<10000x128xf32> to vector<128xf32>
    %broadcast_in_dim3A_68 = vector.shape_cast %reduce_sum3A_67 : vector<128xf32> to vector<1x128xf32>
    %div3A_69 = arith.constant 1.000000e+04 : f32
    %div3A_70 = vector.broadcast %div3A_69 : f32 to vector<1x128xf32>
    %div3A_71 = arith.divf %broadcast_in_dim3A_68, %div3A_70 : vector<1x128xf32>
    %sub3A_72 = vector.broadcast %div3A_71 : vector<1x128xf32> to vector<10000x128xf32>
    %sub3A_73 = arith.subf %add3A_59, %sub3A_72 : vector<10000x128xf32>
    %integer_pow3A_74 = arith.mulf %sub3A_73, %sub3A_73 : vector<10000x128xf32>
    %reduce_sum3A_75 = arith.constant dense<0.000000e+00> : vector<128xf32>
    %reduce_sum3A_76 = vector.multi_reduction <add>, %integer_pow3A_74, %reduce_sum3A_75 [0] : vector<10000x128xf32> to vector<128xf32>
    %broadcast_in_dim3A_77 = vector.shape_cast %reduce_sum3A_76 : vector<128xf32> to vector<1x128xf32>
    %div3A_78 = arith.constant 1.000000e+04 : f32
    %div3A_79 = vector.broadcast %div3A_78 : f32 to vector<1x128xf32>
    %div3A_80 = arith.divf %broadcast_in_dim3A_77, %div3A_79 : vector<1x128xf32>
    %sub3A_81 = vector.broadcast %div3A_71 : vector<1x128xf32> to vector<10000x128xf32>
    %sub3A_82 = arith.subf %add3A_59, %sub3A_81 : vector<10000x128xf32>
    %add3A_83 = arith.constant 9.99999974E-6 : f32
    %add3A_84 = vector.broadcast %add3A_83 : f32 to vector<1x128xf32>
    %add3A_85 = arith.addf %div3A_80, %add3A_84 : vector<1x128xf32>
    %rsqrt3A_86 = math.rsqrt %add3A_85 : vector<1x128xf32>
    %mul3A_87 = vector.broadcast %rsqrt3A_86 : vector<1x128xf32> to vector<10000x128xf32>
    %mul3A_88 = arith.mulf %sub3A_82, %mul3A_87 : vector<10000x128xf32>
    %mul3A_89 = vector.broadcast %get3A_62 : vector<1x128xf32> to vector<10000x128xf32>
    %mul3A_90 = arith.mulf %mul3A_88, %mul3A_89 : vector<10000x128xf32>
    %add3A_91 = vector.broadcast %get3A_65 : vector<1x128xf32> to vector<10000x128xf32>
    %add3A_92 = arith.addf %mul3A_90, %add3A_91 : vector<10000x128xf32>
    %get3A_93 = arith.constant 0 : index
    %get3A_94 = arith.constant 0 : index
    %get3A_95 = vector.load %arg10[%get3A_93, %get3A_94] : memref<128x256xf32, #tpu.memory_space<vmem>>, vector<128x256xf32>
    %dot_general3A_96 = arith.constant dense<0.000000e+00> : vector<10000x256xf32>
    %dot_general3A_97 = tpu.matmul %add3A_92, %get3A_95, %dot_general3A_96 {dimension_numbers = #tpu.dot_dimension_numbers<[1], [0], [0], [1], [0, 0, 1, 1], [], []>, transpose_lhs_hint = false} : vector<10000x128xf32>, vector<128x256xf32>, vector<10000x256xf32> -> vector<10000x256xf32>
    %get3A_98 = arith.constant 0 : index
    %get3A_99 = arith.constant 0 : index
    %get3A_100 = vector.load %arg11[%get3A_98, %get3A_99] : memref<1x256xf32, #tpu.memory_space<vmem>>, vector<1x256xf32>
    %add3A_101 = vector.broadcast %get3A_100 : vector<1x256xf32> to vector<10000x256xf32>
    %add3A_102 = arith.addf %dot_general3A_97, %add3A_101 : vector<10000x256xf32>
    %max3A_103 = arith.constant 0.000000e+00 : f32
    %max3A_104 = vector.broadcast %max3A_103 : f32 to vector<10000x256xf32>
    %max3A_105 = arith.maximumf %add3A_102, %max3A_104 : vector<10000x256xf32>
    %get3A_106 = arith.constant 0 : index
    %get3A_107 = arith.constant 0 : index
    %get3A_108 = vector.load %arg12[%get3A_106, %get3A_107] : memref<256x128xf32, #tpu.memory_space<vmem>>, vector<256x128xf32>
    %dot_general3A_109 = arith.constant dense<0.000000e+00> : vector<10000x128xf32>
    %dot_general3A_110 = tpu.matmul %max3A_105, %get3A_108, %dot_general3A_109 {dimension_numbers = #tpu.dot_dimension_numbers<[1], [0], [0], [1], [0, 0, 1, 1], [], []>, transpose_lhs_hint = false} : vector<10000x256xf32>, vector<256x128xf32>, vector<10000x128xf32> -> vector<10000x128xf32>
    %get3A_111 = arith.constant 0 : index
    %get3A_112 = arith.constant 0 : index
    %get3A_113 = vector.load %arg13[%get3A_111, %get3A_112] : memref<1x128xf32, #tpu.memory_space<vmem>>, vector<1x128xf32>
    %add3A_114 = vector.broadcast %get3A_113 : vector<1x128xf32> to vector<10000x128xf32>
    %add3A_115 = arith.addf %dot_general3A_110, %add3A_114 : vector<10000x128xf32>
    %add3A_116 = arith.addf %add3A_59, %add3A_115 : vector<10000x128xf32>
    %get3A_117 = arith.constant 0 : index
    %get3A_118 = arith.constant 0 : index
    %get3A_119 = vector.load %arg14[%get3A_117, %get3A_118] : memref<1x128xf32, #tpu.memory_space<vmem>>, vector<1x128xf32>
    %get3A_120 = arith.constant 0 : index
    %get3A_121 = arith.constant 0 : index
    %get3A_122 = vector.load %arg15[%get3A_120, %get3A_121] : memref<1x128xf32, #tpu.memory_space<vmem>>, vector<1x128xf32>
    %reduce_sum3A_123 = arith.constant dense<0.000000e+00> : vector<128xf32>
    %reduce_sum3A_124 = vector.multi_reduction <add>, %add3A_116, %reduce_sum3A_123 [0] : vector<10000x128xf32> to vector<128xf32>
    %broadcast_in_dim3A_125 = vector.shape_cast %reduce_sum3A_124 : vector<128xf32> to vector<1x128xf32>
    %div3A_126 = arith.constant 1.000000e+04 : f32
    %div3A_127 = vector.broadcast %div3A_126 : f32 to vector<1x128xf32>
    %div3A_128 = arith.divf %broadcast_in_dim3A_125, %div3A_127 : vector<1x128xf32>
    %sub3A_129 = vector.broadcast %div3A_128 : vector<1x128xf32> to vector<10000x128xf32>
    %sub3A_130 = arith.subf %add3A_116, %sub3A_129 : vector<10000x128xf32>
    %integer_pow3A_131 = arith.mulf %sub3A_130, %sub3A_130 : vector<10000x128xf32>
    %reduce_sum3A_132 = arith.constant dense<0.000000e+00> : vector<128xf32>
    %reduce_sum3A_133 = vector.multi_reduction <add>, %integer_pow3A_131, %reduce_sum3A_132 [0] : vector<10000x128xf32> to vector<128xf32>
    %broadcast_in_dim3A_134 = vector.shape_cast %reduce_sum3A_133 : vector<128xf32> to vector<1x128xf32>
    %div3A_135 = arith.constant 1.000000e+04 : f32
    %div3A_136 = vector.broadcast %div3A_135 : f32 to vector<1x128xf32>
    %div3A_137 = arith.divf %broadcast_in_dim3A_134, %div3A_136 : vector<1x128xf32>
    %sub3A_138 = vector.broadcast %div3A_128 : vector<1x128xf32> to vector<10000x128xf32>
    %sub3A_139 = arith.subf %add3A_116, %sub3A_138 : vector<10000x128xf32>
    %add3A_140 = arith.constant 9.99999974E-6 : f32
    %add3A_141 = vector.broadcast %add3A_140 : f32 to vector<1x128xf32>
    %add3A_142 = arith.addf %div3A_137, %add3A_141 : vector<1x128xf32>
    %rsqrt3A_143 = math.rsqrt %add3A_142 : vector<1x128xf32>
    %mul3A_144 = vector.broadcast %rsqrt3A_143 : vector<1x128xf32> to vector<10000x128xf32>
    %mul3A_145 = arith.mulf %sub3A_139, %mul3A_144 : vector<10000x128xf32>
    %mul3A_146 = vector.broadcast %get3A_119 : vector<1x128xf32> to vector<10000x128xf32>
    %mul3A_147 = arith.mulf %mul3A_145, %mul3A_146 : vector<10000x128xf32>
    %add3A_148 = vector.broadcast %get3A_122 : vector<1x128xf32> to vector<10000x128xf32>
    %add3A_149 = arith.addf %mul3A_147, %add3A_148 : vector<10000x128xf32>
    %swap3A = arith.constant 0 : index
    %swap3A_150 = arith.constant 0 : index
    %swap3A_151 = vector.load %arg16[%swap3A, %swap3A_150] : memref<10000x128xf32, #tpu.memory_space<vmem>>, vector<10000x128xf32>
    tpu.vector_store %arg16[%swap3A, %swap3A_150], %add3A_149 {strides = array<i32>} : memref<10000x128xf32, #tpu.memory_space<vmem>>, vector<10000x128xf32>,
    return
  }
}

</mosaic_0001>

<sc_bundles>
// kernel: kernel.6.cloned.1.call-start
scs
__scs_entry_jumppad:
0x0: {  	(pc) =	sbr.rel $0x88, $3  }
0x1: {  	(tag) =	ssettag $0x0;
	lr =	simm.s32 $0x1  }
0x2: {  	[smem:$0x3F93] =	sst lr;
	_ =	strace $0xD0000000  }
0x3: {  	_ = 	snop  }
0x4: {  	_ = 	snop  }
0x5: {  	_ = 	snop  }
0x6: {  	_ = 	snop  }
0x7: {  	_ = 	snop  }
__scs_overlays_trampoline_lowered:
0x8: {  	[smem:$0x3FA2] =	sst s0  }
0x9: {  	[smem:$0x3FA3] =	sst s1  }
0xa: {  	[smem:$0x3FA4] =	sst s2  }
0xb: {  	[smem:$0x3FA5] =	sst s3  }
0xc: {  	[smem:$0x3FA6] =	sst s4  }
0xd: {  	[smem:$0x3FA7] =	sst s5  }
0xe: {  	[smem:$0x3FA8] =	sst s6  }
0xf: {  	[smem:$0x3FA9] =	sst s7  }
0x10: {  	[smem:$0x3FAA] =	sst s8  }
0x11: {  	[smem:$0x3FAB] =	sst s9;
	s0 =	simm.s32 @!p0 $0x0  }
0x12: {  	s1 =	sld [smem:$0x3F91];
	s0 =	simm.s32 @p0 $0x1  }
0x13: {  	[smem:$0x3FAC] =	sst s0;
	s0 =	simm.s32 @!p1 $0x0  }
0x14: {  	s2 =	sld [smem:$0x3F90];
	s0 =	simm.s32 @p1 $0x1  }
0x15: {  	[smem:$0x3FAD] =	sst s0;
	s0 =	simm.s32 @!p2 $0x0  }
0x16: {  	s3 =	sld [smem:$0x3FDB];
	s0 =	simm.s32 @p2 $0x1  }
0x17: {  	s4 =	simm.s32 $0x1BF5;
	[smem:$0x3FAF] =	sst s0  }
0x18: {  	s0 =	sld [smem:$0x3F92];
	_ =	swait.ge [sflag:s4], $0x0  }
0x19: {  	s7 =	sld [smem:$0x3F93]  }
0x1a: {  	s8 =	sadd.s32 $0xFFFFE003, lr  }
0x1b: {  	s9 =	sadd.s32 $0xFFFFFEF7, lr;
	s5 =	simm.s32 $0xFFFFFFFF;
	p2 =	slt.u32 s8, $0xFFFFF086  }
0x1c: {  	p1 =	slt.u32 s9, $0xF7A;
	s5 =	simm.s32 @!p2 $0x0  }
0x1d: {  	s5 =	simm.s32 @p1 $0x1;
	p0 =	seq.s32 s7, s2  }
0x1e: {  	s7 =	smul.u32 @!p0 $0xF7A, s2;
	p2 =	seq.s32 @!p0 s5, $0x0  }
0x1f: {  	s9 =	smul.u32 $0xF7A, s1;
	s8 =	simm.s32 @!p0 $0x1BF5;
	p2 =	por !p2, p0  }
0x20: {  	[sflag:s8] =	ssyncset.s32 @!p0 $0xFFFFF086;
	s6 =	sadd.s32 @!p0 s3, s7;
	s7 =	simm.s32 @!p0 $0x108  }
0x21: {  	s3 =	sadd.s32 s3, s9;
	s6 =	sadd.s32 @!p0 $0x88, s6;
	s7 =	simm.s32 @p2 $0x1082  }
0x22: {  	[simem:s7], [sflag:s8] =	dma.local @!p0 [hbm:s6], $0xF7A  }
0x23: {  	s9 =	sor.u32 $0xD0000000, s2;
	s6 =	simm.s32 $0x108;
	_ =	swait.ge @!p0 [sflag:s8], $0x0  }
0x24: {  	s3 =	sadd.s32 $0x88, s3;
	s6 =	simm.s32 @!p1 $0x1082;
	[sflag:s4] =	ssyncset.s32 $0xFFFFF086  }
0x25: {  	[simem:s6], [sflag:s4] =	dma.local [hbm:s3], $0xF7A  }
0x26: {  	[smem:$0x3F93] =	sst s1;
	(tag) =	ssettag s2;
	_ =	strace s9  }
0x27: {  	s1 =	sld [smem:$0x3FA3]  }
0x28: {  	s2 =	sld [smem:$0x3FA4]  }
0x29: {  	s4 =	sld [smem:$0x3FA6]  }
0x2a: {  	p0 =	seq.s32 s5, $0x0;
	s5 =	sld [smem:$0x3FA7]  }
0x2b: {  	s6 =	sld [smem:$0x3FA8]  }
0x2c: {  	s7 =	sld [smem:$0x3FA9]  }
0x2d: {  	s3 =	simm.s32 $0x108;
	s8 =	sld [smem:$0x3FAA]  }
0x2e: {  	s3 =	simm.s32 @!p0 $0x1082;
	s9 =	sld [smem:$0x3FAB]  }
0x2f: {  	lr =	sadd.s32 s0, s3;
	s0 =	sld [smem:$0x3FA2]  }
0x30: {  	s3 =	sld [smem:$0x3FA5]  }
0x31: {  	[smem:$0x3FAE] =	sst s10  }
0x32: {  	s10 =	sld [smem:$0x3FAC];
	_ =	sdelay $0x3  }
0x33: {  	p0 =	seq.s32 s10, $0x1;
	s10 =	sld [smem:$0x3FAE];
	_ =	sdelay $0x3  }
0x34: {  	[smem:$0x3FAE] =	sst s10  }
0x35: {  	s10 =	sld [smem:$0x3FAD];
	_ =	sdelay $0x3  }
0x36: {  	p1 =	seq.s32 s10, $0x1;
	s10 =	sld [smem:$0x3FAE];
	_ =	sdelay $0x3  }
0x37: {  	[smem:$0x3FAE] =	sst s10  }
0x38: {  	s10 =	sld [smem:$0x3FAF]  }
0x39: {  	_ = 	snop;
	(pc) =	sbr.ind lr, $3  }
0x3a: {  	_ = 	snop  }
0x3b: {  	_ = 	snop  }
0x3c: {  	p2 =	seq.s32 s10, $0x1;
	s10 =	sld [smem:$0x3FAE]  }
0x3d: {  	_ =	shalt  }
0x3e: {  	_ =	shalt  }
0x3f: {  	_ =	shalt  }
0x40: {  	_ =	shalt  }
0x41: {  	_ =	shalt  }
0x42: {  	_ =	shalt  }
0x43: {  	_ =	shalt  }
0x44: {  	_ =	shalt  }
0x45: {  	_ =	shalt  }
0x46: {  	_ =	shalt  }
0x47: {  	_ =	shalt  }
0x48: {  	_ =	shalt  }
0x49: {  	_ =	shalt  }
0x4a: {  	_ =	shalt  }
0x4b: {  	_ =	shalt  }
0x4c: {  	_ =	shalt  }
0x4d: {  	_ =	shalt  }
0x4e: {  	_ =	shalt  }
0x4f: {  	_ =	shalt  }
0x50: {  	_ =	shalt  }
0x51: {  	_ =	shalt  }
0x52: {  	_ =	shalt  }
0x53: {  	_ =	shalt  }
0x54: {  	_ =	shalt  }
0x55: {  	_ =	shalt  }
0x56: {  	_ =	shalt  }
0x57: {  	_ =	shalt  }
0x58: {  	_ =	shalt  }
0x59: {  	_ =	shalt  }
0x5a: {  	_ =	shalt  }
0x5b: {  	_ =	shalt  }
0x5c: {  	_ =	shalt  }
0x5d: {  	_ =	shalt  }
0x5e: {  	_ =	shalt  }
0x5f: {  	_ =	shalt  }
0x60: {  	_ =	shalt  }
0x61: {  	_ =	shalt  }
0x62: {  	_ =	shalt  }
0x63: {  	_ =	shalt  }
0x64: {  	_ =	shalt  }
0x65: {  	_ =	shalt  }
0x66: {  	_ =	shalt  }
0x67: {  	_ =	shalt  }
0x68: {  	_ =	shalt  }
0x69: {  	_ =	shalt  }
0x6a: {  	_ =	shalt  }
0x6b: {  	_ =	shalt  }
0x6c: {  	_ =	shalt  }
0x6d: {  	_ =	shalt  }
0x6e: {  	_ =	shalt  }
0x6f: {  	_ =	shalt  }
0x70: {  	_ =	shalt  }
0x71: {  	_ =	shalt  }
0x72: {  	_ =	shalt  }
0x73: {  	_ =	shalt  }
0x74: {  	_ =	shalt  }
0x75: {  	_ =	shalt  }
0x76: {  	_ =	shalt  }
0x77: {  	_ =	shalt  }
0x78: {  	_ =	shalt  }
0x79: {  	_ =	shalt  }
0x7a: {  	_ =	shalt  }
0x7b: {  	_ =	shalt  }
0x7c: {  	_ =	shalt  }
0x7d: {  	_ =	shalt  }
0x7e: {  	_ =	shalt  }
0x7f: {  	_ =	shalt  }
0x80: {  	_ =	shalt  }
0x81: {  	_ =	shalt  }
0x82: {  	_ =	shalt  }
0x83: {  	_ =	shalt  }
0x84: {  	_ =	shalt  }
0x85: {  	_ =	shalt  }
0x86: {  	_ =	shalt  }
0x87: {  	_ =	shalt  }
.Lfunc_end0:
.L_simem_size_0:
called_computation_lowered:
.L_overlay_start_0:
0x88: {  	s2 =	sld [smem:$0x3FD9]  }
0x89: {  	s3 =	sld [smem:$0x3FFE];
	_ =	sdelay $0x1  }
0x8a: {  	s1 =	srdreg.scid  }
0x8b: {  	s0 =	sand.u32 $0x1, s1  }
0x8c: {  	s17 =	sshll.u32 s0, $0xA;
	s2 =	sadd.s32 s3, s2  }
0x8d: {  	s2 =	sadd.s32 s2, s17  }
0x8e: {  	[smem:$0x3FBA] =	sst s2  }
0x8f: {  	_ = 	snop  }
0x90: {  	s2 =	sld [smem:$0x3FC8]  }
0x91: {  	s18 =	sld [smem:$0x3FD0];
	(tm) =	ssettm $0x1  }
0x92: {  	s4 =	sld [smem:$0x3FFB];
	_ =	sdelay $0x3  }
0x93: {  	_ =	strace s4  }
0x94: {  	s4 =	sld [smem:$0x3FFC];
	_ =	sdelay $0x3  }
0x95: {  	_ =	strace s4  }
0x96: {  	s4 =	sld [smem:$0x3FFD];
	_ =	sdelay $0x3  }
0x97: {  	_ =	strace s4  }
0x98: {  	_ =	strace $0x8FFFFFFF  }
0x99: {  	s19 =	sld [smem:$0x3FDB];
	_ =	sdelay $0x1  }
0x9a: {  	s5 =	simm.s32 $_scs_section_size  }
0x9b: {  	s6 =	simm.s32 $_size__tile_overlayer_lowered;
	s7 =	simm.s32 $_tile_overlayer_lowered  }
0x9c: {  	s22 =	simm.s32 $0x1BFF;
	s21 =	sshll.u32 s7, $0x1;
	s4 =	sadd.s32 s5, s19  }
0x9d: {  	s8 =	simm.s32 $0x0;
	s20 =	sshll.u32 s6, $0x1;
	s6 =	sadd.s32 s21, s4  }
0x9e: {  	[timem:s8], [sflag:s22] =	dma.local [hbm:s6], s20  }
0x9f: {  	_ =	swait.ge [sflag:s22], s20  }
0xa0: {  	s5 =	ssub.s32 $0x0, s20;
	[sflag:s22] =	ssyncset.done $0x0  }
0xa1: {  	[sflag:s22] =	ssyncadd.s32 s5;
	_ =	sdelay $0x1  }
0xa2: {  	s23 =	simm.s32 $0x1B8B  }
0xa3: {  	_ =	swait.ge [sflag:s23], $0x1  }
0xa4: {  	[sflag:s23] =	ssyncset.done $0x0  }
0xa5: {  	s25 =	simm.s32 $0x1B8E;
	s24 =	sld [smem:$0x3FFE];
	[sflag:s23] =	ssyncadd.s32 $0xFFFFFFFF  }
0xa6: {  	s26 =	simm.s32 $execute0_lowered;
	[smem:$0x3FD2] =	sst s25  }
0xa7: {  	s6 =	sshll.u32 s26, $0x1;
	_ =	strace $0x80000046;
	[dreg:$0x1] =	wrdreg $0xFFFFFFFF  }
0xa8: {  	s28 =	simm.s32 $_size_execute0_lowered;
	s4 =	sadd.s32 s4, s6;
	[dreg:$0x0] =	wrdreg $0x0  }
0xa9: {  	s6 =	sshll.u32 s28, $0x1;
	[dreg:$0x2] =	wrdreg s4  }
0xaa: {  	[dreg:$0x3] =	wrdreg s6  }
0xab: {  	[dreg:$0x4] =	wrdreg $0xC0  }
0xac: {  	_ =	task [dreg:s8], $0x5FFFF  }
0xad: {  	[dreg:$0x1] =	wrdreg $0xFFFFFFFF  }
0xae: {  	[dreg:$0x0] =	wrdreg $0x60  }
0xaf: {  	[dreg:$0x2] =	wrdreg s2  }
0xb0: {  	[dreg:$0x3] =	wrdreg s24  }
0xb1: {  	[dreg:$0x4] =	wrdreg s18  }
0xb2: {  	[dreg:$0x5] =	wrdreg $0x27800  }
0xb3: {  	[dreg:$0x6] =	wrdreg $0x9  }
0xb4: {  	_ =	task.clear_ibuf [dreg:s8], $0x7FFFF;
	_ =	strace $0x90000046  }
0xb5: {  	s29 =	simm.s32 $0x9;
	_ =	strace $0x80000048  }
0xb6: {  	_ =	swait.ge [sflag:s29], $0x1  }
0xb7: {  	[sflag:s29] =	ssyncadd.s32 $0xFFFFFFFF  }
0xb8: {  	_ =	strace $0x90000048  }
0xb9: {  	_ =	sfence  }
0xba: {  	s30 =	sld [smem:$0x0];
	_ =	sdelay $0x2  }
0xbb: {  	s31 =	sshll.u32 s1, $0xD;
	s1 =	sshrl.u32 s1, $0x2  }
0xbc: {  	s3 =	sand.u32 $0x4000, s31;
	s1 =	sadd.s32 s1, s30  }
0xbd: {  	s0 =	sor.u32 s3, s0;
	s1 =	sshll.u32 s1, $0x11  }
0xbe: {  	s0 =	sor.u32 s1, s0  }
0xbf: {  	s0 =	sadd.s32 $0x8F2B, s0  }
0xc0: {  	[sflag:s0] =	ssyncadd.remote.s32 $0x1  }
0xc1: {  	_ =	sfence.sel $0xFFFF  }
0xc2: {  	[dreg:$0x0] =	wrdreg $0xFFFFFFFF;
	(pc) =	sbr.abs _section_cstart, $3  }
0xc3: {  	[dreg:$0x1] =	wrdreg $0xFFFFFFFF  }
0xc4: {  	_ =	task.clear_ibuf [dreg:s8], $0x2FFFF;
	_ =	strace $0x9FFFFFFF  }
0xc5: {  	(tm) =	ssettm $0x7FFFFFFF  }
tec
execute0_lowered:
.L_overlay_start_1:
0x0: {  	(tag) =	ssettag $0x1  }
0x1: {  	s5 =	rddreg [dreg:$0x0]  }
0x2: {  	s4 =	rddreg [dreg:$0x1]  }
0x3: {  	s7 =	rddreg [dreg:$0x2];
	s1 =	srdreg.scid  }
0x4: {  	s0 =	stileid.u32;
	s2 =	rddreg [dreg:$0x3];
	s3 =	simm.s32 $0x0  }
0x5: {  	s14 =	simm.s32 $0x40;
	s15 =	simm.s32 $0x2700;
	s16 =	simm.s32 $0x1  }
0x6: {  	s17 =	simm.s32 $0x0;
	s6 =	sand.u32 $0x1, s1;
	s1 =	rddreg [dreg:$0x4]  }
0x7: {  	s8 =	sshll.u32 s0, $0x1;
	[smem:$0x7FF] =	sst s3;
	s10 =	smul.u32 $0x280, s0  }
0x8: {  	s4 =	sadd.s32 $0x2E00, s4;
	s29 =	sshll.u32 s0, $0x5;
	s31 =	sshll.u32 s0, $0x6  }
0x9: {  	p0 =	sgt.u32 s0, $0x3;
	s8 =	sor.u32 s6, s8;
	_ =	strace $0x80000047  }
0xa: {  	s9 =	ssub.s32 $0x2, s6;
	s12 =	smul.u32 $0x2800, s6;
	s6 =	sshll.u32 s6, $0x3  }
0xb: {  	s8 =	smul.u32 $0x9C0, s8;
	s11 =	sshrl.u32 s9, $0x1;
	s6 =	sadd.s32 s6, s5  }
0xc: {  	s13 =	sadd.s32 s10, s2;
	s9 =	ssub.s32 s9, s11;
	s12 =	sadd.s32 s10, s12  }
0xd: {  	s6 =	sadd.s32 s29, s6;
	s10 =	simm.s32 $0x100;
	s11 =	simm.s32 $0x2  }
0xe: {  	s13 =	sshrl.u32 s13, $0x3;
	s8 =	sadd.s32 s8, s5;
	s30 =	sshrl.u32 s12, $0x3  }
0xf: {  	s6 =	sadd.s32 $0x13810, s6;
	s12 =	sor.u32 $0x1C02, s31;
	s5 =	sadd.s32 $0x10, s8  }
0x10: {  	v0 =	vimm.f32 $1.000000000e+00;
	s7 =	sadd.s32 s7, s30;
	s8 =	smax.u32 s9, $0x1;
	s9 =	simm.s32 $0x80  }
.LBB2_1:
0x11: {  	[tilespmem:$0x2700] =	vst v0  }
0x12: {  	[tilespmem:$0x2710] =	vst v0  }
0x13: {  	[tilespmem:$0x2720] =	vst v0  }
0x14: {  	[tilespmem:$0x2730] =	vst v0  }
0x15: {  	[tilespmem:s3], [sflag:$0x2] =	stream.strided.gather [hbm4b:s5+s9], $0x2700, s10, s9, $0x38;
	[tilespmem:$0x2A00] =	vst v63  }
0x16: {  	_ =	swait.ge [sflag:s11], $0x2700  }
0x17: {  	[sflag:s11] =	ssyncset.done $0x0  }
0x18: {  	[sflag:s11] =	ssyncadd.s32 $0xFFFFD900  }
0x19: {  	[spmem:s13], [sflag:s12] =	dma.local [hbm:s4], $0x50  }
0x1a: {  	_ =	swait.ge [sflag:s11], $0x50  }
0x1b: {  	[sflag:s11] =	ssyncset.done $0x0  }
0x1c: {  	[sflag:s11] =	ssyncadd.s32 $0xFFFFFFB0  }
0x1d: {  	s18 =	simm.s32 $0x0;
	[bflag:$0x0] =	sbarrier.arrive $0xFFFF  }
0x1e: {  	[spmem:s2] =	stream.indirect.scatter.add.f32 [tilespmem:s15], [sflag:$0x1], $0x1, s18, s14, $0xb8;
	[tilespmem:$0x2A00] =	vst v63  }
0x1f: {  	s30 =	simm.s32 $0x40  }
0x20: {  	[spmem:s2] =	stream.indirect.scatter.add.f32 [tilespmem:s15], [sflag:$0x1], $0x1, s30, s14, $0xb8;
	[tilespmem:$0x2A00] =	vst v63  }
0x21: {  	s31 =	simm.s32 $0x80  }
0x22: {  	[spmem:s2] =	stream.indirect.scatter.add.f32 [tilespmem:s15], [sflag:$0x1], $0x1, s31, s14, $0xb8;
	[tilespmem:$0x2A00] =	vst v63  }
0x23: {  	_ =	swait.ge [sflag:s16], $0x40  }
0x24: {  	[sflag:s16] =	ssyncset.done $0x0  }
0x25: {  	[sflag:s16] =	ssyncadd.s32 $0xFFFFFFC0  }
0x26: {  	_ =	swait.ge [sflag:s16], $0x40  }
0x27: {  	[sflag:s16] =	ssyncset.done $0x0  }
0x28: {  	[sflag:s16] =	ssyncadd.s32 $0xFFFFFFC0  }
0x29: {  	_ =	swait.ge [sflag:s16], $0x40  }
0x2a: {  	s19 =	simm.s32 $0x600;
	s18 =	simm.s32 $0x300;
	[sflag:s16] =	ssyncset.done $0x0  }
.LBB2_2:
0x2b: {  	s20 =	sshra.s32 s18, $0x2  }
0x2c: {  	[sflag:s16] =	ssyncadd.s32 $0xFFFFFFC0;
	s18 =	smov.u32 s19;
	s21 =	sadd.s32 $0x300, s19  }
0x2d: {  	[spmem:s2] =	stream.indirect.scatter.add.f32 [tilespmem:s15], [sflag:$0x1], $0x1, s20, s14, $0xb8;
	[tilespmem:$0x2A00] =	vst v63  }
0x2e: {  	p1 =	sne.s32 s19, $0x9900;
	s19 =	sadd.s32 $0x40, s20  }
0x2f: {  	[spmem:s2] =	stream.indirect.scatter.add.f32 [tilespmem:s15], [sflag:$0x1], $0x1, s19, s14, $0xb8;
	[tilespmem:$0x2A00] =	vst v63  }
0x30: {  	s19 =	sadd.s32 $0x80, s20  }
0x31: {  	[spmem:s2] =	stream.indirect.scatter.add.f32 [tilespmem:s15], [sflag:$0x1], $0x1, s19, s14, $0xb8;
	[tilespmem:$0x2A00] =	vst v63  }
0x32: {  	_ =	swait.ge [sflag:s16], $0x40  }
0x33: {  	[sflag:s16] =	ssyncset.done $0x0  }
0x34: {  	[sflag:s16] =	ssyncadd.s32 $0xFFFFFFC0  }
.Ltmp0:
0x35: {  	_ =	swait.ge [sflag:s16], $0x40;
	(pc) =	sbr.rel @p1 .LBB2_2-.Ltmp0, $4  }
0x36: {  	[sflag:s16] =	ssyncset.done $0x0  }
0x37: {  	[sflag:s16] =	ssyncadd.s32 $0xFFFFFFC0  }
0x38: {  	_ =	swait.ge [sflag:s16], $0x40  }
0x39: {  	s19 =	smov.u32 s21;
	[sflag:s16] =	ssyncset.done $0x0  }
0x3a: {  	s18 =	sshra.s32 s18, $0x2;
	[sflag:s16] =	ssyncadd.s32 $0xFFFFFFC0  }
0x3b: {  	[spmem:s2] =	stream.indirect.scatter.add.f32 [tilespmem:s15], [sflag:$0x1], $0x1, s18, s14, $0xb8;
	[tilespmem:$0x2A00] =	vst v63  }
0x3c: {  	s19 =	sadd.s32 $0x40, s18  }
0x3d: {  	[spmem:s2] =	stream.indirect.scatter.add.f32 [tilespmem:s15], [sflag:$0x1], $0x1, s19, s14, $0xb8;
	[tilespmem:$0x2A00] =	vst v63  }
0x3e: {  	s18 =	sadd.s32 $0x80, s18  }
0x3f: {  	[spmem:s2] =	stream.indirect.scatter.add.f32 [tilespmem:s15], [sflag:$0x1], $0x1, s18, s14, $0xb8;
	[tilespmem:$0x2A00] =	vst v63  }
0x40: {  	_ =	swait.ge [sflag:s16], $0x40  }
0x41: {  	[sflag:s16] =	ssyncset.done $0x0  }
0x42: {  	[sflag:s16] =	ssyncadd.s32 $0xFFFFFFC0  }
0x43: {  	_ =	swait.ge [sflag:s16], $0x40  }
0x44: {  	[sflag:s16] =	ssyncset.done $0x0  }
0x45: {  	[sflag:s16] =	ssyncadd.s32 $0xFFFFFFC0  }
0x46: {  	_ =	swait.ge [sflag:s16], $0x40  }
0x47: {  	[sflag:s16] =	ssyncset.done $0x0  }
0x48: {  	s19 =	simm.s32 @!p0 $0x2;
	s18 =	simm.s32 @!p0 $0x0;
	[sflag:s16] =	ssyncadd.s32 $0xFFFFFFC0  }
0x49: {  	[tilespmem:s18], [sflag:$0x2] =	stream.linear.gather @!p0 [hbm4b:s6+s18], $0x40, $0x38;
	[tilespmem:$0x2A00] =	vst v63  }
0x4a: {  	_ =	swait.ge @!p0 [sflag:s19], $0x40  }
0x4b: {  	[sflag:s19] =	ssyncset.done @!p0 $0x0  }
0x4c: {  	s20 =	simm.s32 @!p0 $0x40;
	s21 =	simm.s32 @!p0 $0x2700;
	[sflag:s19] =	ssyncadd.s32 @!p0 $0xFFFFFFC0  }
0x4d: {  	[spmem:s2] =	stream.indirect.scatter.add.f32 @!p0 [tilespmem:s21], [sflag:$0x2], $0x1, s18, s20, $0xb8;
	[tilespmem:$0x2A00] =	vst v63  }
0x4e: {  	_ =	swait.ge @!p0 [sflag:s19], $0x40  }
0x4f: {  	s17 =	sadd.s32 $0x1, s17;
	[sflag:s19] =	ssyncset.done @!p0 $0x0  }
0x50: {  	p1 =	sne.s32 s17, s8;
	[sflag:s19] =	ssyncadd.s32 @!p0 $0xFFFFFFC0  }
.Ltmp1:
0x51: {  	[bflag:$0x0] =	sbarrier.arrive $0xFFFF;
	(pc) =	sbr.rel @p1 .LBB2_1-.Ltmp1, $4  }
0x52: {  	[hbm:s7], [sflag:s12] =	dma.local [spmem:s13], $0x50  }
0x53: {  	_ =	swait.ge [sflag:s11], $0x50  }
0x54: {  	[sflag:s11] =	ssyncset.done $0x0  }
0x55: {  	[sflag:s11] =	ssyncadd.s32 $0xFFFFFFB0  }
0x56: {  	_ =	sfence.sel $0x180000  }
0x57: {  	[bflag:$0x0] =	sbarrier.arrive $0xFFFF  }
0x58: {  	p0 =	sne.s32 s0, $0x0;
	_ =	strace $0x90000047  }
0x59: {  	s0 =	sadd.s32 @!p0 $0x100000, s1;
	[bflag:$0x2] =	sbarrier.arrive $0xFFFF  }
0x5a: {  	[sflag:s0] =	ssyncadd.tile.s32 @!p0 $0x1;
	_ =	shalt  }
.Lfunc_end2:
_tile_overlayer_lowered:
.L_overlay_start_2:
0x5b: {  	(tag) =	ssettag $0x2  }
0x5c: {  	s0 =	rddreg [dreg:$0x0];
	s2 =	stileid.u32  }
0x5d: {  	s1 =	rddreg [dreg:$0x1];
	p0 =	sne.s32 s2, $0x0  }
0x5e: {  	s3 =	rddreg [dreg:$0x2];
	[bflag:$0x3] =	sbarrier.arrive $0xFFFF;
	s2 =	simm.s32 @!p0 $0x1C02  }
0x5f: {  	[timem:s3], [sflag:s2] =	dma.local @!p0 [hbm:s0], s1  }
0x60: {  	s0 =	simm.s32 @!p0 $0x2  }
0x61: {  	_ =	swait.ge @!p0 [sflag:s0], s1  }
0x62: {  	s1 =	ssub.s32 @!p0 $0x0, s1;
	[sflag:s0] =	ssyncset.done @!p0 $0x0  }
0x63: {  	[sflag:s0] =	ssyncadd.s32 @!p0 s1  }
0x64: {  	[bflag:$0x3] =	sbarrier.arrive $0xFFFF  }
0x65: {  	_ =	shalt  }

// kernel: kernel.9.cloned.1.call-start
scs
__scs_entry_jumppad:
0x0: {  	(pc) =	sbr.rel $0x88, $3  }
0x1: {  	(tag) =	ssettag $0x0;
	lr =	simm.s32 $0x1  }
0x2: {  	[smem:$0x3F93] =	sst lr;
	_ =	strace $0xD0000000  }
0x3: {  	_ = 	snop  }
0x4: {  	_ = 	snop  }
0x5: {  	_ = 	snop  }
0x6: {  	_ = 	snop  }
0x7: {  	_ = 	snop  }
__scs_overlays_trampoline_lowered:
0x8: {  	[smem:$0x3FA2] =	sst s0  }
0x9: {  	[smem:$0x3FA3] =	sst s1  }
0xa: {  	[smem:$0x3FA4] =	sst s2  }
0xb: {  	[smem:$0x3FA5] =	sst s3  }
0xc: {  	[smem:$0x3FA6] =	sst s4  }
0xd: {  	[smem:$0x3FA7] =	sst s5  }
0xe: {  	[smem:$0x3FA8] =	sst s6  }
0xf: {  	[smem:$0x3FA9] =	sst s7  }
0x10: {  	[smem:$0x3FAA] =	sst s8  }
0x11: {  	[smem:$0x3FAB] =	sst s9;
	s0 =	simm.s32 @!p0 $0x0  }
0x12: {  	s1 =	sld [smem:$0x3F91];
	s0 =	simm.s32 @p0 $0x1  }
0x13: {  	[smem:$0x3FAC] =	sst s0;
	s0 =	simm.s32 @!p1 $0x0  }
0x14: {  	s2 =	sld [smem:$0x3F90];
	s0 =	simm.s32 @p1 $0x1  }
0x15: {  	[smem:$0x3FAD] =	sst s0;
	s0 =	simm.s32 @!p2 $0x0  }
0x16: {  	s3 =	sld [smem:$0x3FDB];
	s0 =	simm.s32 @p2 $0x1  }
0x17: {  	s4 =	simm.s32 $0x1BF5;
	[smem:$0x3FAF] =	sst s0  }
0x18: {  	s0 =	sld [smem:$0x3F92];
	_ =	swait.ge [sflag:s4], $0x0  }
0x19: {  	s7 =	sld [smem:$0x3F93]  }
0x1a: {  	s8 =	sadd.s32 $0xFFFFE003, lr  }
0x1b: {  	s9 =	sadd.s32 $0xFFFFFEF7, lr;
	s5 =	simm.s32 $0xFFFFFFFF;
	p2 =	slt.u32 s8, $0xFFFFF086  }
0x1c: {  	p1 =	slt.u32 s9, $0xF7A;
	s5 =	simm.s32 @!p2 $0x0  }
0x1d: {  	s5 =	simm.s32 @p1 $0x1;
	p0 =	seq.s32 s7, s2  }
0x1e: {  	s7 =	smul.u32 @!p0 $0xF7A, s2;
	p2 =	seq.s32 @!p0 s5, $0x0  }
0x1f: {  	s9 =	smul.u32 $0xF7A, s1;
	s8 =	simm.s32 @!p0 $0x1BF5;
	p2 =	por !p2, p0  }
0x20: {  	[sflag:s8] =	ssyncset.s32 @!p0 $0xFFFFF086;
	s6 =	sadd.s32 @!p0 s3, s7;
	s7 =	simm.s32 @!p0 $0x108  }
0x21: {  	s3 =	sadd.s32 s3, s9;
	s6 =	sadd.s32 @!p0 $0x88, s6;
	s7 =	simm.s32 @p2 $0x1082  }
0x22: {  	[simem:s7], [sflag:s8] =	dma.local @!p0 [hbm:s6], $0xF7A  }
0x23: {  	s9 =	sor.u32 $0xD0000000, s2;
	s6 =	simm.s32 $0x108;
	_ =	swait.ge @!p0 [sflag:s8], $0x0  }
0x24: {  	s3 =	sadd.s32 $0x88, s3;
	s6 =	simm.s32 @!p1 $0x1082;
	[sflag:s4] =	ssyncset.s32 $0xFFFFF086  }
0x25: {  	[simem:s6], [sflag:s4] =	dma.local [hbm:s3], $0xF7A  }
0x26: {  	[smem:$0x3F93] =	sst s1;
	(tag) =	ssettag s2;
	_ =	strace s9  }
0x27: {  	s1 =	sld [smem:$0x3FA3]  }
0x28: {  	s2 =	sld [smem:$0x3FA4]  }
0x29: {  	s4 =	sld [smem:$0x3FA6]  }
0x2a: {  	p0 =	seq.s32 s5, $0x0;
	s5 =	sld [smem:$0x3FA7]  }
0x2b: {  	s6 =	sld [smem:$0x3FA8]  }
0x2c: {  	s7 =	sld [smem:$0x3FA9]  }
0x2d: {  	s3 =	simm.s32 $0x108;
	s8 =	sld [smem:$0x3FAA]  }
0x2e: {  	s3 =	simm.s32 @!p0 $0x1082;
	s9 =	sld [smem:$0x3FAB]  }
0x2f: {  	lr =	sadd.s32 s0, s3;
	s0 =	sld [smem:$0x3FA2]  }
0x30: {  	s3 =	sld [smem:$0x3FA5]  }
0x31: {  	[smem:$0x3FAE] =	sst s10  }
0x32: {  	s10 =	sld [smem:$0x3FAC];
	_ =	sdelay $0x3  }
0x33: {  	p0 =	seq.s32 s10, $0x1;
	s10 =	sld [smem:$0x3FAE];
	_ =	sdelay $0x3  }
0x34: {  	[smem:$0x3FAE] =	sst s10  }
0x35: {  	s10 =	sld [smem:$0x3FAD];
	_ =	sdelay $0x3  }
0x36: {  	p1 =	seq.s32 s10, $0x1;
	s10 =	sld [smem:$0x3FAE];
	_ =	sdelay $0x3  }
0x37: {  	[smem:$0x3FAE] =	sst s10  }
0x38: {  	s10 =	sld [smem:$0x3FAF]  }
0x39: {  	_ = 	snop;
	(pc) =	sbr.ind lr, $3  }
0x3a: {  	_ = 	snop  }
0x3b: {  	_ = 	snop  }
0x3c: {  	p2 =	seq.s32 s10, $0x1;
	s10 =	sld [smem:$0x3FAE]  }
0x3d: {  	_ =	shalt  }
0x3e: {  	_ =	shalt  }
0x3f: {  	_ =	shalt  }
0x40: {  	_ =	shalt  }
0x41: {  	_ =	shalt  }
0x42: {  	_ =	shalt  }
0x43: {  	_ =	shalt  }
0x44: {  	_ =	shalt  }
0x45: {  	_ =	shalt  }
0x46: {  	_ =	shalt  }
0x47: {  	_ =	shalt  }
0x48: {  	_ =	shalt  }
0x49: {  	_ =	shalt  }
0x4a: {  	_ =	shalt  }
0x4b: {  	_ =	shalt  }
0x4c: {  	_ =	shalt  }
0x4d: {  	_ =	shalt  }
0x4e: {  	_ =	shalt  }
0x4f: {  	_ =	shalt  }
0x50: {  	_ =	shalt  }
0x51: {  	_ =	shalt  }
0x52: {  	_ =	shalt  }
0x53: {  	_ =	shalt  }
0x54: {  	_ =	shalt  }
0x55: {  	_ =	shalt  }
0x56: {  	_ =	shalt  }
0x57: {  	_ =	shalt  }
0x58: {  	_ =	shalt  }
0x59: {  	_ =	shalt  }
0x5a: {  	_ =	shalt  }
0x5b: {  	_ =	shalt  }
0x5c: {  	_ =	shalt  }
0x5d: {  	_ =	shalt  }
0x5e: {  	_ =	shalt  }
0x5f: {  	_ =	shalt  }
0x60: {  	_ =	shalt  }
0x61: {  	_ =	shalt  }
0x62: {  	_ =	shalt  }
0x63: {  	_ =	shalt  }
0x64: {  	_ =	shalt  }
0x65: {  	_ =	shalt  }
0x66: {  	_ =	shalt  }
0x67: {  	_ =	shalt  }
0x68: {  	_ =	shalt  }
0x69: {  	_ =	shalt  }
0x6a: {  	_ =	shalt  }
0x6b: {  	_ =	shalt  }
0x6c: {  	_ =	shalt  }
0x6d: {  	_ =	shalt  }
0x6e: {  	_ =	shalt  }
0x6f: {  	_ =	shalt  }
0x70: {  	_ =	shalt  }
0x71: {  	_ =	shalt  }
0x72: {  	_ =	shalt  }
0x73: {  	_ =	shalt  }
0x74: {  	_ =	shalt  }
0x75: {  	_ =	shalt  }
0x76: {  	_ =	shalt  }
0x77: {  	_ =	shalt  }
0x78: {  	_ =	shalt  }
0x79: {  	_ =	shalt  }
0x7a: {  	_ =	shalt  }
0x7b: {  	_ =	shalt  }
0x7c: {  	_ =	shalt  }
0x7d: {  	_ =	shalt  }
0x7e: {  	_ =	shalt  }
0x7f: {  	_ =	shalt  }
0x80: {  	_ =	shalt  }
0x81: {  	_ =	shalt  }
0x82: {  	_ =	shalt  }
0x83: {  	_ =	shalt  }
0x84: {  	_ =	shalt  }
0x85: {  	_ =	shalt  }
0x86: {  	_ =	shalt  }
0x87: {  	_ =	shalt  }
.Lfunc_end0:
.L_simem_size_0:
called_computation.1_lowered:
.L_overlay_start_0:
0x88: {  	s2 =	sld [smem:$0x3FD9]  }
0x89: {  	s3 =	sld [smem:$0x3FFE];
	_ =	sdelay $0x1  }
0x8a: {  	s1 =	srdreg.scid  }
0x8b: {  	s0 =	sand.u32 $0x1, s1  }
0x8c: {  	s17 =	sshll.u32 s0, $0xA;
	s2 =	sadd.s32 s3, s2  }
0x8d: {  	s2 =	sadd.s32 s2, s17  }
0x8e: {  	[smem:$0x3FBA] =	sst s2  }
0x8f: {  	_ = 	snop  }
0x90: {  	s2 =	sld [smem:$0x3FC8]  }
0x91: {  	s18 =	sld [smem:$0x3FD0];
	(tm) =	ssettm $0x1  }
0x92: {  	s4 =	sld [smem:$0x3FFB];
	_ =	sdelay $0x3  }
0x93: {  	_ =	strace s4  }
0x94: {  	s4 =	sld [smem:$0x3FFC];
	_ =	sdelay $0x3  }
0x95: {  	_ =	strace s4  }
0x96: {  	s4 =	sld [smem:$0x3FFD];
	_ =	sdelay $0x3  }
0x97: {  	_ =	strace s4  }
0x98: {  	_ =	strace $0x8FFFFFFF  }
0x99: {  	s19 =	sld [smem:$0x3FDB];
	_ =	sdelay $0x1  }
0x9a: {  	s5 =	simm.s32 $_scs_section_size  }
0x9b: {  	s6 =	simm.s32 $_size__tile_overlayer_lowered;
	s7 =	simm.s32 $_tile_overlayer_lowered  }
0x9c: {  	s22 =	simm.s32 $0x1BFF;
	s21 =	sshll.u32 s7, $0x1;
	s4 =	sadd.s32 s5, s19  }
0x9d: {  	s8 =	simm.s32 $0x0;
	s20 =	sshll.u32 s6, $0x1;
	s6 =	sadd.s32 s21, s4  }
0x9e: {  	[timem:s8], [sflag:s22] =	dma.local [hbm:s6], s20  }
0x9f: {  	_ =	swait.ge [sflag:s22], s20  }
0xa0: {  	s5 =	ssub.s32 $0x0, s20;
	[sflag:s22] =	ssyncset.done $0x0  }
0xa1: {  	[sflag:s22] =	ssyncadd.s32 s5;
	_ =	sdelay $0x1  }
0xa2: {  	s23 =	simm.s32 $0x1B8B  }
0xa3: {  	_ =	swait.ge [sflag:s23], $0x1  }
0xa4: {  	[sflag:s23] =	ssyncset.done $0x0  }
0xa5: {  	s25 =	simm.s32 $0x1B8E;
	s24 =	sld [smem:$0x3FFE];
	[sflag:s23] =	ssyncadd.s32 $0xFFFFFFFF  }
0xa6: {  	s26 =	simm.s32 $execute0_lowered;
	[smem:$0x3FD2] =	sst s25  }
0xa7: {  	s6 =	sshll.u32 s26, $0x1;
	_ =	strace $0x80000049;
	[dreg:$0x1] =	wrdreg $0xFFFFFFFF  }
0xa8: {  	s28 =	simm.s32 $_size_execute0_lowered;
	s4 =	sadd.s32 s4, s6;
	[dreg:$0x0] =	wrdreg $0x0  }
0xa9: {  	s6 =	sshll.u32 s28, $0x1;
	[dreg:$0x2] =	wrdreg s4  }
0xaa: {  	[dreg:$0x3] =	wrdreg s6  }
0xab: {  	[dreg:$0x4] =	wrdreg $0xC0  }
0xac: {  	_ =	task [dreg:s8], $0x5FFFF  }
0xad: {  	[dreg:$0x1] =	wrdreg $0xFFFFFFFF  }
0xae: {  	[dreg:$0x0] =	wrdreg $0x60  }
0xaf: {  	[dreg:$0x2] =	wrdreg s18  }
0xb0: {  	[dreg:$0x3] =	wrdreg s2  }
0xb1: {  	[dreg:$0x4] =	wrdreg s24  }
0xb2: {  	[dreg:$0x5] =	wrdreg $0xAE000  }
0xb3: {  	[dreg:$0x6] =	wrdreg $0x9  }
0xb4: {  	_ =	task.clear_ibuf [dreg:s8], $0x7FFFF;
	_ =	strace $0x90000049  }
0xb5: {  	s29 =	simm.s32 $0x9;
	_ =	strace $0x8000004B  }
0xb6: {  	_ =	swait.ge [sflag:s29], $0x1  }
0xb7: {  	[sflag:s29] =	ssyncadd.s32 $0xFFFFFFFF  }
0xb8: {  	_ =	strace $0x9000004B  }
0xb9: {  	_ =	sfence  }
0xba: {  	s30 =	sld [smem:$0x0];
	_ =	sdelay $0x2  }
0xbb: {  	s31 =	sshll.u32 s1, $0xD;
	s1 =	sshrl.u32 s1, $0x2  }
0xbc: {  	s3 =	sand.u32 $0x4000, s31;
	s1 =	sadd.s32 s1, s30  }
0xbd: {  	s0 =	sor.u32 s3, s0;
	s1 =	sshll.u32 s1, $0x11  }
0xbe: {  	s0 =	sor.u32 s1, s0  }
0xbf: {  	s0 =	sadd.s32 $0x8F2B, s0  }
0xc0: {  	[sflag:s0] =	ssyncadd.remote.s32 $0x1  }
0xc1: {  	_ =	sfence.sel $0xFFFF  }
0xc2: {  	[dreg:$0x0] =	wrdreg $0xFFFFFFFF;
	(pc) =	sbr.abs _section_cstart, $3  }
0xc3: {  	[dreg:$0x1] =	wrdreg $0xFFFFFFFF  }
0xc4: {  	_ =	task.clear_ibuf [dreg:s8], $0x2FFFF;
	_ =	strace $0x9FFFFFFF  }
0xc5: {  	(tm) =	ssettm $0x7FFFFFFF  }
tec
execute0_lowered:
.L_overlay_start_1:
0x0: {  	(tag) =	ssettag $0x1  }
0x1: {  	s1 =	rddreg [dreg:$0x0]  }
0x2: {  	s0 =	rddreg [dreg:$0x1]  }
0x3: {  	s3 =	rddreg [dreg:$0x2]  }
0x4: {  	s2 =	rddreg [dreg:$0x3]  }
0x5: {  	s4 =	srdreg.scid;
	s5 =	simm.s32 $0x0;
	s14 =	simm.s32 $0x7  }
0x6: {  	s15 =	simm.s32 $0x2700;
	s16 =	simm.s32 $0x40;
	s17 =	simm.s32 $0x4E00  }
0x7: {  	s18 =	simm.s32 $0x6E00;
	s21 =	simm.s32 $0x1;
	s22 =	simm.s32 $0x8E00  }
0x8: {  	s28 =	simm.s32 $0x3;
	s30 =	simm.s32 $0x5;
	s6 =	sand.u32 $0x1, s4  }
0x9: {  	s31 =	simm.s32 $0x6;
	s4 =	stileid.u32;
	s7 =	smul.u32 $0x13C000, s6  }
0xa: {  	[smem:$0x7FF] =	sst s5;
	s5 =	sadd.s32 $0x2E00, s3;
	s8 =	smul.u32 $0x13C00, s4  }
0xb: {  	_ =	strace $0x8000004A;
	s23 =	sshll.u32 s4, $0x1;
	s9 =	ssub.s32 $0x2, s6  }
0xc: {  	s10 =	smul.u32 $0x4F000, s4;
	s11 =	sshll.u32 s4, $0x5;
	s12 =	sshll.u32 s6, $0x3  }
0xd: {  	s29 =	sshll.u32 s4, $0x6;
	p0 =	sgt.u32 s4, $0x3;
	s24 =	sshrl.u32 s9, $0x1  }
0xe: {  	s25 =	sor.u32 s12, s11;
	s12 =	simm.s32 $0x80;
	s19 =	sor.u32 $0x1C07, s29  }
0xf: {  	s7 =	sadd.s32 s8, s7;
	s8 =	sor.u32 s6, s23;
	s13 =	ssub.s32 s9, s24  }
0x10: {  	s26 =	sshrl.u32 s10, $0x2;
	s23 =	simm.s32 $0x2;
	s8 =	smul.u32 $0x9C0, s8  }
.Ltmp0:
0x11: {  	s7 =	sshrl.u32 s7, $0x3;
	s20 =	sadd.s32 s26, s2;
	(pc) =	sbr.rel .LBB2_1-.Ltmp0, $4  }
0x12: {  	s11 =	smax.u32 s13, $0x1;
	s13 =	simm.s32 $0x100;
	s3 =	sadd.s32 s7, s3  }
0x13: {  	s20 =	sshrl.u32 s20, $0x3;
	s6 =	sadd.s32 s0, s8;
	s0 =	sadd.s32 s25, s0  }
0x14: {  	s10 =	sadd.s32 $0x5600, s3;
	s25 =	simm.s32 $0x4;
	s7 =	sadd.s32 $0x10, s6  }
0x15: {  	s8 =	sadd.s32 $0x13800, s0;
	s9 =	sadd.s32 $0x13810, s0;
	s0 =	simm.s32 $0x0  }
.LBB2_4:
0x16: {  	_ =	swait.ge [sflag:s28], $0x2000  }
0x17: {  	[sflag:s28] =	ssyncset.done $0x0  }
0x18: {  	[sflag:s28] =	ssyncadd.s32 $0xFFFFE000  }
0x19: {  	[spmem:s2] =	stream.indirect.scatter.add.f32 [tilespmem:s22], [sflag:$0x6], $0x80, s26, s16, $0xb8;
	[tilespmem:$0x1EA00] =	vst v63  }
0x1a: {  	_ =	swait.ge [sflag:s30], $0x2000  }
0x1b: {  	[sflag:s30] =	ssyncset.done $0x0  }
0x1c: {  	[sflag:s30] =	ssyncadd.s32 $0xFFFFE000  }
0x1d: {  	_ =	swait.ge [sflag:s31], $0x2000  }
0x1e: {  	[sflag:s31] =	ssyncset.done $0x0  }
0x1f: {  	s3 =	simm.s32 @!p0 $0x0;
	s24 =	simm.s32 @!p0 $0x7;
	[sflag:s31] =	ssyncadd.s32 $0xFFFFE000  }
0x20: {  	[tilespmem:s3], [sflag:$0x7] =	stream.linear.gather @!p0 [hbm4b:s8+s3], $0x40, $0x38;
	[tilespmem:$0x1EA00] =	vst v63  }
0x21: {  	_ =	swait.ge @!p0 [sflag:s24], $0x40  }
0x22: {  	[sflag:s24] =	ssyncset.done @!p0 $0x0  }
0x23: {  	s26 =	simm.s32 @!p0 $0x2700;
	[sflag:s24] =	ssyncadd.s32 @!p0 $0xFFFFFFC0  }
0x24: {  	[tilespmem:s26], [sflag:$0x7] =	stream.linear.gather @!p0 [hbm4b:s9+s3], $0x40, $0x38;
	[tilespmem:$0x1EA00] =	vst v63  }
0x25: {  	_ =	swait.ge @!p0 [sflag:s24], $0x40  }
0x26: {  	[sflag:s24] =	ssyncset.done @!p0 $0x0  }
0x27: {  	s29 =	simm.s32 @!p0 $0x40;
	s4 =	simm.s32 @!p0 $0x4E00;
	[sflag:s24] =	ssyncadd.s32 @!p0 $0xFFFFFFC0  }
0x28: {  	[tilespmem:s4], [sflag:$0x1] =	stream.indirect.gather @!p0 [hbm4b:s1+s29], $0x80, s3, s29, $0xb8;
	[tilespmem:$0x1EA00] =	vst v63  }
0x29: {  	s3 =	simm.s32 @!p0 $0x1  }
0x2a: {  	_ =	swait.ge @!p0 [sflag:s3], $0x2000  }
0x2b: {  	[sflag:s3] =	ssyncset.done @!p0 $0x0  }
0x2c: {  	[sflag:s3] =	ssyncadd.s32 @!p0 $0xFFFFE000  }
0x2d: {  	[spmem:s2] =	stream.indirect.scatter.add.f32 @!p0 [tilespmem:s4], [sflag:$0x7], $0x80, s26, s29, $0xb8;
	[tilespmem:$0x1EA00] =	vst v63  }
0x2e: {  	_ =	swait.ge @!p0 [sflag:s24], $0x2000  }
0x2f: {  	s0 =	sadd.s32 $0x1, s0;
	[sflag:s24] =	ssyncset.done @!p0 $0x0  }
0x30: {  	p1 =	sne.s32 s0, s11;
	[sflag:s24] =	ssyncadd.s32 @!p0 $0xFFFFE000  }
.Ltmp1:
0x31: {  	[bflag:$0x0] =	sbarrier.arrive $0xFFFF;
	(pc) =	sbr.rel @!p1 .LBB2_5-.Ltmp1, $4  }
0x32: {  	[hbm:s10], [sflag:s19] =	dma.local [spmem:s20], $0x2780  }
0x33: {  	_ =	swait.ge [sflag:s14], $0x2780  }
0x34: {  	[sflag:s14] =	ssyncset.done $0x0  }
0x35: {  	[sflag:s14] =	ssyncadd.s32 $0xFFFFD880  }
.LBB2_1:
0x36: {  	s3 =	simm.s32 $0x0  }
0x37: {  	[tilespmem:s3], [sflag:$0x7] =	stream.strided.gather [hbm4b:s6+s12], $0x2700, s13, s12, $0x38;
	[tilespmem:$0x1EA00] =	vst v63  }
0x38: {  	_ =	swait.ge [sflag:s14], $0x2700  }
0x39: {  	[sflag:s14] =	ssyncset.done $0x0  }
0x3a: {  	[sflag:s14] =	ssyncadd.s32 $0xFFFFD900  }
0x3b: {  	[tilespmem:s15], [sflag:$0x7] =	stream.strided.gather [hbm4b:s7+s12], $0x2700, s13, s12, $0x38;
	[tilespmem:$0x1EA00] =	vst v63  }
0x3c: {  	_ =	swait.ge [sflag:s14], $0x2700  }
0x3d: {  	[sflag:s14] =	ssyncset.done $0x0  }
0x3e: {  	[sflag:s14] =	ssyncadd.s32 $0xFFFFD900  }
0x3f: {  	[tilespmem:s17], [sflag:$0x1] =	stream.indirect.gather [hbm4b:s1+s16], $0x80, s3, s16, $0xb8;
	[tilespmem:$0x1EA00] =	vst v63  }
0x40: {  	_ = 	snop  }
0x41: {  	[tilespmem:s18], [sflag:$0x2] =	stream.indirect.gather [hbm4b:s1+s16], $0x80, s16, s16, $0xb8;
	[tilespmem:$0x1EA00] =	vst v63  }
0x42: {  	[spmem:s20], [sflag:s19] =	dma.local [hbm:s5], $0x2780  }
0x43: {  	_ =	swait.ge [sflag:s14], $0x2780  }
0x44: {  	[sflag:s14] =	ssyncset.done $0x0  }
0x45: {  	[sflag:s14] =	ssyncadd.s32 $0xFFFFD880  }
0x46: {  	[bflag:$0x0] =	sbarrier.arrive $0xFFFF  }
0x47: {  	_ =	swait.ge [sflag:s21], $0x2000  }
0x48: {  	[sflag:s21] =	ssyncset.done $0x0  }
0x49: {  	[sflag:s21] =	ssyncadd.s32 $0xFFFFE000  }
0x4a: {  	[spmem:s2] =	stream.indirect.scatter.add.f32 [tilespmem:s17], [sflag:$0x4], $0x80, s15, s16, $0xb8;
	[tilespmem:$0x1EA00] =	vst v63  }
0x4b: {  	_ = 	snop  }
0x4c: {  	[tilespmem:s22], [sflag:$0x3] =	stream.indirect.gather [hbm4b:s1+s16], $0x80, s12, s16, $0xb8;
	[tilespmem:$0x1EA00] =	vst v63  }
0x4d: {  	_ =	swait.ge [sflag:s23], $0x2000  }
0x4e: {  	[sflag:s23] =	ssyncset.done $0x0  }
0x4f: {  	s24 =	simm.s32 $0x2740;
	[sflag:s23] =	ssyncadd.s32 $0xFFFFE000  }
0x50: {  	[spmem:s2] =	stream.indirect.scatter.add.f32 [tilespmem:s18], [sflag:$0x5], $0x80, s24, s16, $0xb8;
	[tilespmem:$0x1EA00] =	vst v63  }
0x51: {  	_ =	swait.ge [sflag:s25], $0x2000  }
0x52: {  	[sflag:s25] =	ssyncset.done $0x0  }
0x53: {  	s26 =	simm.s32 $0xC0;
	[sflag:s25] =	ssyncadd.s32 $0xFFFFE000  }
0x54: {  	[tilespmem:s17], [sflag:$0x1] =	stream.indirect.gather [hbm4b:s1+s16], $0x80, s26, s16, $0xb8;
	[tilespmem:$0x1EA00] =	vst v63  }
0x55: {  	_ =	swait.ge [sflag:s28], $0x2000  }
0x56: {  	[sflag:s28] =	ssyncset.done $0x0  }
0x57: {  	s29 =	simm.s32 $0x2780;
	[sflag:s28] =	ssyncadd.s32 $0xFFFFE000  }
0x58: {  	[spmem:s2] =	stream.indirect.scatter.add.f32 [tilespmem:s22], [sflag:$0x6], $0x80, s29, s16, $0xb8;
	[tilespmem:$0x1EA00] =	vst v63  }
0x59: {  	_ =	swait.ge [sflag:s30], $0x2000  }
0x5a: {  	[sflag:s30] =	ssyncset.done $0x0  }
0x5b: {  	s3 =	simm.s32 $0x0;
	[sflag:s30] =	ssyncadd.s32 $0xFFFFE000  }
0x5c: {  	[tilespmem:s18], [sflag:$0x2] =	stream.indirect.gather [hbm4b:s1+s16], $0x80, s13, s16, $0xb8;
	[tilespmem:$0x1EA00] =	vst v63  }
.LBB2_2:
0x5d: {  	_ =	swait.ge [sflag:s21], $0x2000  }
0x5e: {  	s24 =	sshra.s32 s3, $0x2;
	[sflag:s21] =	ssyncset.done $0x0  }
0x5f: {  	s26 =	sadd.s32 $0x27C0, s24;
	[sflag:s21] =	ssyncadd.s32 $0xFFFFE000  }
0x60: {  	[spmem:s2] =	stream.indirect.scatter.add.f32 [tilespmem:s17], [sflag:$0x4], $0x80, s26, s16, $0xb8;
	[tilespmem:$0x1EA00] =	vst v63  }
0x61: {  	_ =	swait.ge [sflag:s31], $0x2000  }
0x62: {  	[sflag:s31] =	ssyncset.done $0x0  }
0x63: {  	s4 =	sadd.s32 $0x140, s24;
	[sflag:s31] =	ssyncadd.s32 $0xFFFFE000  }
0x64: {  	[tilespmem:s22], [sflag:$0x3] =	stream.indirect.gather [hbm4b:s1+s16], $0x80, s4, s16, $0xb8;
	[tilespmem:$0x1EA00] =	vst v63  }
0x65: {  	_ =	swait.ge [sflag:s23], $0x2000  }
0x66: {  	p1 =	seq.s32 s3, $0x9600;
	[sflag:s23] =	ssyncset.done $0x0  }
.Ltmp2:
0x67: {  	s29 =	sadd.s32 $0x2800, s24;
	[sflag:s23] =	ssyncadd.s32 $0xFFFFE000;
	(pc) =	sbr.rel @p1 .LBB2_4-.Ltmp2, $4  }
0x68: {  	[spmem:s2] =	stream.indirect.scatter.add.f32 [tilespmem:s18], [sflag:$0x5], $0x80, s29, s16, $0xb8;
	[tilespmem:$0x1EA00] =	vst v63  }
0x69: {  	_ =	swait.ge [sflag:s25], $0x2000  }
0x6a: {  	[sflag:s25] =	ssyncset.done $0x0  }
0x6b: {  	s26 =	sadd.s32 $0x2840, s24;
	[sflag:s25] =	ssyncadd.s32 $0xFFFFE000  }
0x6c: {  	s29 =	sadd.s32 $0x180, s24  }
0x6d: {  	[tilespmem:s17], [sflag:$0x1] =	stream.indirect.gather [hbm4b:s1+s16], $0x80, s29, s16, $0xb8;
	[tilespmem:$0x1EA00] =	vst v63  }
0x6e: {  	_ =	swait.ge [sflag:s28], $0x2000  }
0x6f: {  	[sflag:s28] =	ssyncset.done $0x0  }
0x70: {  	[sflag:s28] =	ssyncadd.s32 $0xFFFFE000  }
0x71: {  	[spmem:s2] =	stream.indirect.scatter.add.f32 [tilespmem:s22], [sflag:$0x6], $0x80, s26, s16, $0xb8;
	[tilespmem:$0x1EA00] =	vst v63  }
.Ltmp3:
0x72: {  	_ = 	snop;
	(pc) =	sbr.rel .LBB2_2-.Ltmp3, $4  }
0x73: {  	_ =	swait.ge [sflag:s30], $0x2000  }
0x74: {  	[sflag:s30] =	ssyncset.done $0x0  }
0x75: {  	s3 =	sadd.s32 $0x300, s3;
	s29 =	sadd.s32 $0x1C0, s24;
	[sflag:s30] =	ssyncadd.s32 $0xFFFFE000  }
0x76: {  	[tilespmem:s18], [sflag:$0x2] =	stream.indirect.gather [hbm4b:s1+s16], $0x80, s29, s16, $0xb8;
	[tilespmem:$0x1EA00] =	vst v63  }
.LBB2_5:
0x77: {  	_ =	sfence.sel $0x180000  }
0x78: {  	[bflag:$0x0] =	sbarrier.arrive $0xFFFF  }
0x79: {  	_ =	strace $0x9000004A  }
0x7a: {  	s0 =	stileid.u32;
	[bflag:$0x2] =	sbarrier.arrive $0xFFFF  }
0x7b: {  	p0 =	sne.s32 s0, $0x0;
	s0 =	rddreg [dreg:$0x4]  }
0x7c: {  	s0 =	sadd.s32 @!p0 $0x100000, s0  }
0x7d: {  	[sflag:s0] =	ssyncadd.tile.s32 @!p0 $0x1;
	_ =	shalt  }
.Lfunc_end2:
_tile_overlayer_lowered:
.L_overlay_start_2:
0x7e: {  	(tag) =	ssettag $0x2  }
0x7f: {  	s0 =	rddreg [dreg:$0x0];
	s2 =	stileid.u32  }
0x80: {  	s1 =	rddreg [dreg:$0x1];
	p0 =	sne.s32 s2, $0x0  }
0x81: {  	s3 =	rddreg [dreg:$0x2];
	[bflag:$0x3] =	sbarrier.arrive $0xFFFF;
	s2 =	simm.s32 @!p0 $0x1C07  }
0x82: {  	[timem:s3], [sflag:s2] =	dma.local @!p0 [hbm:s0], s1  }
0x83: {  	s0 =	simm.s32 @!p0 $0x7  }
0x84: {  	_ =	swait.ge @!p0 [sflag:s0], s1  }
0x85: {  	s1 =	ssub.s32 @!p0 $0x0, s1;
	[sflag:s0] =	ssyncset.done @!p0 $0x0  }
0x86: {  	[sflag:s0] =	ssyncadd.s32 @!p0 s1  }
0x87: {  	[bflag:$0x3] =	sbarrier.arrive $0xFFFF  }
0x88: {  	_ =	shalt  }

</sc_bundles>
